<compile_context>
chip_gen: v7x
topology: tpu7x:2x2x1
jax: 0.10.2.dev20260603
libtpu: 0.0.44.dev20260713+nightly
codegen_flags: <defaults>
</compile_context>

<pallas_src>
import jax
import jax.numpy as jnp
from jax import lax
from jax.experimental import pallas as pl
from jax.experimental.pallas import tpu as pltpu
from jax.experimental.pallas import tpu_sc as plsc

NUM_BUCKETS = 32
NUM_HEADS = 12
QL = 2048
KL = 2048

NC = 2
NS = 16
LANES = 16
NW = NC * NS
NSHIFT = 8
BAND_LO = 1664
BAND_W = 768
BAND_STEPS = BAND_W // LANES
N_UNITS = NUM_HEADS * NSHIFT

_THRESHOLDS = (12, 16, 23, 32, 46, 64, 91)


def _bucket_of(d):
  rel = d - (QL - 1)
  n = jnp.abs(rel)
  large = jnp.full((LANES,), 8, dtype=jnp.int32)
  for thr in _THRESHOLDS:
    large = large + jnp.where(n >= thr, 1, 0).astype(jnp.int32)
  return jnp.where(n < 8, n, large) + jnp.where(rel > 0, 16, 0)


def _band_body(bias_hbm, r8_hbm, bias_v, buf_v):
  wid = lax.axis_index("s") * NC + lax.axis_index("c")
  pltpu.sync_copy(bias_hbm, bias_v)

  for j in range(N_UNITS // NW):
    u = wid + NW * j
    h = lax.shift_right_logical(u, 3)
    k = lax.bitwise_and(u, NSHIFT - 1)
    head_idx = jnp.full((LANES,), h, dtype=jnp.int32)

    def step(t, carry, k=k, head_idx=head_idx):
      d = BAND_LO + 7 - k + t * LANES + lax.iota(jnp.int32, LANES)
      vals = plsc.load_gather(bias_v, [_bucket_of(d), head_idx])
      buf_v[pl.ds(t * LANES, LANES)] = vals
      return carry

    lax.fori_loop(0, BAND_STEPS, step, 0)
    pltpu.sync_copy(buf_v, r8_hbm.at[h, k])


_sc_band = pl.kernel(
    _band_body,
    out_type=jax.ShapeDtypeStruct((NUM_HEADS, NSHIFT, BAND_W), jnp.float32),
    mesh=plsc.VectorSubcoreMesh(core_axis_name="c", subcore_axis_name="s"),
    compiler_params=pltpu.CompilerParams(
        needs_layout_passes=False, use_tc_tiling_on_sc=False
    ),
    scratch_types=[
        pltpu.VMEM((NUM_BUCKETS, NUM_HEADS), jnp.float32),
        pltpu.VMEM((BAND_W,), jnp.float32),
    ],
)

_BROWS = 128
_GRID_G = QL // _BROWS


def _tc_body(bias_s, r8_ref, out_ref):
  h = pl.program_id(0)
  g = pl.program_id(1)
  cn = bias_s[15, h]
  cp = bias_s[31, h]
  for ct in range(16):
    cval = jnp.where(ct < g, cn, cp)
    out_ref[0, :, 128 * ct:128 * (ct + 1)] = jnp.full(
        (_BROWS, 128), cval, jnp.float32
    )
  for dd in (-1, 0, 1):
    cond = jnp.logical_and(g + dd >= 0, g + dd <= _GRID_G - 1)

    @pl.when(cond)
    def _(dd=dd):
      pieces = [
          r8_ref[0, :, 376 + 128 * dd - 8 * a:504 + 128 * dd - 8 * a]
          for a in range(16)
      ]
      w = jnp.concatenate(pieces, axis=0)
      out_ref[0, :, pl.ds((g + dd) * 128, 128)] = w


_tc_fill = pl.pallas_call(
    _tc_body,
    grid=(NUM_HEADS, _GRID_G),
    in_specs=[
        pl.BlockSpec(memory_space=pltpu.SMEM),
        pl.BlockSpec((1, NSHIFT, BAND_W), lambda h, g: (h, 0, 0)),
    ],
    out_specs=pl.BlockSpec((1, _BROWS, KL), lambda h, g: (h, g, 0)),
    out_shape=jax.ShapeDtypeStruct((NUM_HEADS, QL, KL), jnp.float32),
    compiler_params=pltpu.CompilerParams(
        dimension_semantics=("parallel", "parallel")
    ),
)


@jax.jit
def kernel(query_length, key_length, relative_attention_bias):
  del query_length, key_length
  r8 = _sc_band(relative_attention_bias)
  return _tc_fill(relative_attention_bias, r8)

# --- scband reference (transcript-rebuilt; emitter-appended) ---
"""Pipeline reference for scband-relative-position-embedding-63118839382019 (READ-ONLY COPY).

The authoritative reference and input builder live on the scoring server;
editing this copy changes nothing except your own understanding.
"""

import math
import jax, jax.numpy as jnp
import numpy as np

NUM_BUCKETS = 32
MAX_DISTANCE = 128
NUM_HEADS = 12
QUERY_LENGTH = 2048
KEY_LENGTH = 2048


def _relative_position_bucket(relative_position, bidirectional=True, num_buckets=32, max_distance=128):
    relative_buckets = jnp.zeros_like(relative_position)
    if bidirectional:
        num_buckets = num_buckets // 2
        relative_buckets = relative_buckets + (relative_position > 0).astype(jnp.int64) * num_buckets
        relative_position = jnp.abs(relative_position)
    else:
        relative_position = -jnp.minimum(relative_position, jnp.zeros_like(relative_position))
    max_exact = num_buckets // 2
    is_small = relative_position < max_exact
    relative_position_if_large = max_exact + (
        jnp.log(relative_position.astype(jnp.float32) / max_exact)
        / math.log(max_distance / max_exact)
        * (num_buckets - max_exact)
    ).astype(jnp.int64)
    relative_position_if_large = jnp.minimum(
        relative_position_if_large,
        jnp.full_like(relative_position_if_large, num_buckets - 1),
    )
    relative_buckets = relative_buckets + jnp.where(is_small, relative_position, relative_position_if_large)
    return relative_buckets


def setup_inputs(seed: int = 0) -> dict:
    key = jax.random.key(seed)
    relative_attention_bias = jax.random.normal(key, (NUM_BUCKETS, NUM_HEADS), dtype=jnp.float32) * 0.02
    return {
        "query_length": 2048,
        "key_length": 2048,
        "relative_attention_bias": relative_attention_bias,
    }


def reference(query_length, key_length, relative_attention_bias):
    query_zero = (jnp.asarray(query_length) * 0).astype(jnp.int64)
    key_zero = (jnp.asarray(key_length) * 0).astype(jnp.int64)
    context_position = (jnp.arange(QUERY_LENGTH, dtype=jnp.int64) + query_zero)[:, None]
    memory_position = (jnp.arange(KEY_LENGTH, dtype=jnp.int64) + key_zero)[None, :]
    relative_position = memory_position - context_position
    relative_position_bucket = _relative_position_bucket(
        relative_position,
        bidirectional=True,
        num_buckets=NUM_BUCKETS,
        max_distance=MAX_DISTANCE,
    )
    values = jnp.take(relative_attention_bias, relative_position_bucket, axis=0)
    values = jnp.transpose(values, (2, 0, 1))
    return values

if __name__ == "__main__":
    import jax
    _d = setup_inputs()
    print(jax.jit(kernel)(*tuple(_d.values())))

</pallas_src>

<mosaic_0001>
#map = affine_map<(d0, d1) -> (0, 0)>
#map1 = affine_map<(d0, d1) -> (0, 0, 0)>
module attributes {stable_mosaic.version = 14 : i64} {
  func.func @_band_body(%arg0: i32, %arg1: i32, %arg2: memref<32x12xf32, #tpu.memory_space<hbm>>, %arg3: memref<12x8x768xf32, #tpu.memory_space<hbm>>, %arg4: memref<32x12xf32, #tpu.memory_space<vmem>>, %arg5: memref<768xf32, #tpu.memory_space<vmem>>) attributes {dimension_semantics = [#tpu.dimension_semantics<core_parallel>, #tpu.dimension_semantics<subcore_parallel>], iteration_bounds = array<i64: 2, 16>, scalar_prefetch = 0 : i64, scratch_operands = 2 : i64, tpu.core_type = #tpu.core_type<sc_vector_subcore>, window_params = [{transform_indices = #map}, {transform_indices = #map1}]} {
    %mul3A = arith.constant 2 : i32
    %mul3A_0 = arith.muli %arg1, %mul3A : i32
    %add3A = arith.addi %mul3A_0, %arg0 : i32
    "tpu.region"() ({
      %run_scoped3A = tpu.sem_alloc : memref<!tpu.dma_semaphore, #tpu.memory_space<semaphore_mem>>
      tpu.enqueue_dma source(%arg2 : memref<32x12xf32, #tpu.memory_space<hbm>>) target(%arg4 : memref<32x12xf32, #tpu.memory_space<vmem>>) target_semaphore(%run_scoped3A : memref<!tpu.dma_semaphore, #tpu.memory_space<semaphore_mem>>)
      tpu.wait_dma2 semaphore(%run_scoped3A : memref<!tpu.dma_semaphore, #tpu.memory_space<semaphore_mem>>) src(%arg2 : memref<32x12xf32, #tpu.memory_space<hbm>>) dst(%arg4 : memref<32x12xf32, #tpu.memory_space<vmem>>)
      tpu.yield
    }) : () -> ()
    %add3A_1 = arith.constant 0 : i32
    %add3A_2 = arith.addi %add3A, %add3A_1 : i32
    %shift_right_logical3A = arith.constant 3 : i32
    %shift_right_logical3A_3 = arith.shrui %add3A_2, %shift_right_logical3A : i32
    %and3A = arith.constant 7 : i32
    %and3A_4 = arith.andi %add3A_2, %and3A : i32
    %broadcast_in_dim3A = vector.broadcast %shift_right_logical3A_3 : i32 to vector<16xi32>
    %scan3A = arith.constant 0 : i32
    %scan3A_5 = arith.constant 0 : i32
    %scan3A_6 = arith.constant 48 : i32
    %scan3A_7 = arith.addi %scan3A_5, %scan3A_6 : i32
    %scan3A_8 = arith.constant 1 : i32
    scf.for %scan3A_36 = %scan3A_5 to %scan3A_7 step %scan3A_8  : i32 {
      %sub3A = arith.constant 1671 : i32
      %sub3A_37 = arith.subi %sub3A, %and3A_4 : i32
      %mul3A_38 = arith.constant 16 : i32
      %mul3A_39 = arith.muli %scan3A_36, %mul3A_38 : i32
      %add3A_40 = arith.addi %sub3A_37, %mul3A_39 : i32
      %iota3A = tpu.iota {dimensions = array<i32: 0>} : vector<16xi32>
      %add3A_41 = vector.broadcast %add3A_40 : i32 to vector<16xi32>
      %add3A_42 = arith.addi %add3A_41, %iota3A : vector<16xi32>
      %sub3A_43 = arith.constant 2047 : i32
      %sub3A_44 = vector.broadcast %sub3A_43 : i32 to vector<16xi32>
      %sub3A_45 = arith.subi %add3A_42, %sub3A_44 : vector<16xi32>
      %abs3A = math.absi %sub3A_45 : vector<16xi32>
      %broadcast_in_dim3A_46 = arith.constant 8 : i32
      %broadcast_in_dim3A_47 = vector.broadcast %broadcast_in_dim3A_46 : i32 to vector<16xi32>
      %ge3A = arith.constant 12 : i32
      %ge3A_48 = vector.broadcast %ge3A : i32 to vector<16xi32>
      %ge3A_49 = arith.cmpi sge, %abs3A, %ge3A_48 : vector<16xi32>
      %jit3A = arith.constant 1 : i32
      %jit3A_50 = arith.constant 0 : i32
      %broadcast_in_dim3A_51 = vector.broadcast %jit3A : i32 to vector<16xi32>
      %broadcast_in_dim3A_52 = vector.broadcast %jit3A_50 : i32 to vector<16xi32>
      %select_n3A = arith.select %ge3A_49, %broadcast_in_dim3A_51, %broadcast_in_dim3A_52 : vector<16xi1>, vector<16xi32>
      %add3A_53 = arith.addi %broadcast_in_dim3A_47, %select_n3A : vector<16xi32>
      %ge3A_54 = arith.constant 16 : i32
      %ge3A_55 = vector.broadcast %ge3A_54 : i32 to vector<16xi32>
      %ge3A_56 = arith.cmpi sge, %abs3A, %ge3A_55 : vector<16xi32>
      %jit3A_57 = arith.constant 1 : i32
      %jit3A_58 = arith.constant 0 : i32
      %broadcast_in_dim3A_59 = vector.broadcast %jit3A_57 : i32 to vector<16xi32>
      %broadcast_in_dim3A_60 = vector.broadcast %jit3A_58 : i32 to vector<16xi32>
      %select_n3A_61 = arith.select %ge3A_56, %broadcast_in_dim3A_59, %broadcast_in_dim3A_60 : vector<16xi1>, vector<16xi32>
      %add3A_62 = arith.addi %add3A_53, %select_n3A_61 : vector<16xi32>
      %ge3A_63 = arith.constant 23 : i32
      %ge3A_64 = vector.broadcast %ge3A_63 : i32 to vector<16xi32>
      %ge3A_65 = arith.cmpi sge, %abs3A, %ge3A_64 : vector<16xi32>
      %jit3A_66 = arith.constant 1 : i32
      %jit3A_67 = arith.constant 0 : i32
      %broadcast_in_dim3A_68 = vector.broadcast %jit3A_66 : i32 to vector<16xi32>
      %broadcast_in_dim3A_69 = vector.broadcast %jit3A_67 : i32 to vector<16xi32>
      %select_n3A_70 = arith.select %ge3A_65, %broadcast_in_dim3A_68, %broadcast_in_dim3A_69 : vector<16xi1>, vector<16xi32>
      %add3A_71 = arith.addi %add3A_62, %select_n3A_70 : vector<16xi32>
      %ge3A_72 = arith.constant 32 : i32
      %ge3A_73 = vector.broadcast %ge3A_72 : i32 to vector<16xi32>
      %ge3A_74 = arith.cmpi sge, %abs3A, %ge3A_73 : vector<16xi32>
      %jit3A_75 = arith.constant 1 : i32
      %jit3A_76 = arith.constant 0 : i32
      %broadcast_in_dim3A_77 = vector.broadcast %jit3A_75 : i32 to vector<16xi32>
      %broadcast_in_dim3A_78 = vector.broadcast %jit3A_76 : i32 to vector<16xi32>
      %select_n3A_79 = arith.select %ge3A_74, %broadcast_in_dim3A_77, %broadcast_in_dim3A_78 : vector<16xi1>, vector<16xi32>
      %add3A_80 = arith.addi %add3A_71, %select_n3A_79 : vector<16xi32>
      %ge3A_81 = arith.constant 46 : i32
      %ge3A_82 = vector.broadcast %ge3A_81 : i32 to vector<16xi32>
      %ge3A_83 = arith.cmpi sge, %abs3A, %ge3A_82 : vector<16xi32>
      %jit3A_84 = arith.constant 1 : i32
      %jit3A_85 = arith.constant 0 : i32
      %broadcast_in_dim3A_86 = vector.broadcast %jit3A_84 : i32 to vector<16xi32>
      %broadcast_in_dim3A_87 = vector.broadcast %jit3A_85 : i32 to vector<16xi32>
      %select_n3A_88 = arith.select %ge3A_83, %broadcast_in_dim3A_86, %broadcast_in_dim3A_87 : vector<16xi1>, vector<16xi32>
      %add3A_89 = arith.addi %add3A_80, %select_n3A_88 : vector<16xi32>
      %ge3A_90 = arith.constant 64 : i32
      %ge3A_91 = vector.broadcast %ge3A_90 : i32 to vector<16xi32>
      %ge3A_92 = arith.cmpi sge, %abs3A, %ge3A_91 : vector<16xi32>
      %jit3A_93 = arith.constant 1 : i32
      %jit3A_94 = arith.constant 0 : i32
      %broadcast_in_dim3A_95 = vector.broadcast %jit3A_93 : i32 to vector<16xi32>
      %broadcast_in_dim3A_96 = vector.broadcast %jit3A_94 : i32 to vector<16xi32>
      %select_n3A_97 = arith.select %ge3A_92, %broadcast_in_dim3A_95, %broadcast_in_dim3A_96 : vector<16xi1>, vector<16xi32>
      %add3A_98 = arith.addi %add3A_89, %select_n3A_97 : vector<16xi32>
      %ge3A_99 = arith.constant 91 : i32
      %ge3A_100 = vector.broadcast %ge3A_99 : i32 to vector<16xi32>
      %ge3A_101 = arith.cmpi sge, %abs3A, %ge3A_100 : vector<16xi32>
      %jit3A_102 = arith.constant 1 : i32
      %jit3A_103 = arith.constant 0 : i32
      %broadcast_in_dim3A_104 = vector.broadcast %jit3A_102 : i32 to vector<16xi32>
      %broadcast_in_dim3A_105 = vector.broadcast %jit3A_103 : i32 to vector<16xi32>
      %select_n3A_106 = arith.select %ge3A_101, %broadcast_in_dim3A_104, %broadcast_in_dim3A_105 : vector<16xi1>, vector<16xi32>
      %add3A_107 = arith.addi %add3A_98, %select_n3A_106 : vector<16xi32>
      %lt3A = arith.constant 8 : i32
      %lt3A_108 = vector.broadcast %lt3A : i32 to vector<16xi32>
      %lt3A_109 = arith.cmpi slt, %abs3A, %lt3A_108 : vector<16xi32>
      %select_n3A_110 = arith.select %lt3A_109, %abs3A, %add3A_107 : vector<16xi1>, vector<16xi32>
      %gt3A = arith.constant 0 : i32
      %gt3A_111 = vector.broadcast %gt3A : i32 to vector<16xi32>
      %gt3A_112 = arith.cmpi sgt, %sub3A_45, %gt3A_111 : vector<16xi32>
      %jit3A_113 = arith.constant 16 : i32
      %jit3A_114 = arith.constant 0 : i32
      %broadcast_in_dim3A_115 = vector.broadcast %jit3A_113 : i32 to vector<16xi32>
      %broadcast_in_dim3A_116 = vector.broadcast %jit3A_114 : i32 to vector<16xi32>
      %select_n3A_117 = arith.select %gt3A_112, %broadcast_in_dim3A_115, %broadcast_in_dim3A_116 : vector<16xi1>, vector<16xi32>
      %add3A_118 = arith.addi %select_n3A_110, %select_n3A_117 : vector<16xi32>
      %gather3A = tpu.vector_load_idx %arg4[%add3A_118, %broadcast_in_dim3A] : memref<32x12xf32, #tpu.memory_space<vmem>>[vector<16xi32>, vector<16xi32>], vector<16xf32>,
      %mul3A_119 = arith.constant 16 : i32
      %mul3A_120 = arith.muli %scan3A_36, %mul3A_119 : i32
      %swap3A = arith.index_cast %mul3A_120 : i32 to index
      %swap3A_121 = tpu.vector_load %arg5[%swap3A] {strides = array<i32>} : memref<768xf32, #tpu.memory_space<vmem>>, vector<16xf32>,
      tpu.vector_store %arg5[%swap3A], %gather3A {strides = array<i32>} : memref<768xf32, #tpu.memory_space<vmem>>, vector<16xf32>,
    }
    %scan3A_9 = arith.constant 48 : i32
    "tpu.region"() ({
      %run_scoped3A = tpu.sem_alloc : memref<!tpu.dma_semaphore, #tpu.memory_space<semaphore_mem>>
      %dma_start3A = arith.constant 0 : i32
      %dma_start3A_36 = tpu.memref_slice %arg3[%shift_right_logical3A_3, %and3A_4, %dma_start3A] : memref<12x8x768xf32, #tpu.memory_space<hbm>> -> memref<1x1x768xf32, #tpu.memory_space<hbm>>
      %dma_start3A_37 = tpu.memref_squeeze %dma_start3A_36 : memref<1x1x768xf32, #tpu.memory_space<hbm>> -> memref<768xf32, #tpu.memory_space<hbm>>
      %dma_start3A_38 = arith.constant 0 : i32
      %dma_start3A_39 = tpu.memref_slice %arg3[%shift_right_logical3A_3, %and3A_4, %dma_start3A_38] : memref<12x8x768xf32, #tpu.memory_space<hbm>> -> memref<1x1x768xf32, #tpu.memory_space<hbm>>
      %dma_start3A_40 = tpu.memref_squeeze %dma_start3A_39 : memref<1x1x768xf32, #tpu.memory_space<hbm>> -> memref<768xf32, #tpu.memory_space<hbm>>
      tpu.enqueue_dma source(%arg5 : memref<768xf32, #tpu.memory_space<vmem>>) target(%dma_start3A_40 : memref<768xf32, #tpu.memory_space<hbm>>) target_semaphore(%run_scoped3A : memref<!tpu.dma_semaphore, #tpu.memory_space<semaphore_mem>>)
      %dma_wait3A = arith.constant 0 : i32
      %dma_wait3A_41 = tpu.memref_slice %arg3[%shift_right_logical3A_3, %and3A_4, %dma_wait3A] : memref<12x8x768xf32, #tpu.memory_space<hbm>> -> memref<1x1x768xf32, #tpu.memory_space<hbm>>
      %dma_wait3A_42 = tpu.memref_squeeze %dma_wait3A_41 : memref<1x1x768xf32, #tpu.memory_space<hbm>> -> memref<768xf32, #tpu.memory_space<hbm>>
      %dma_wait3A_43 = arith.constant 0 : i32
      %dma_wait3A_44 = tpu.memref_slice %arg3[%shift_right_logical3A_3, %and3A_4, %dma_wait3A_43] : memref<12x8x768xf32, #tpu.memory_space<hbm>> -> memref<1x1x768xf32, #tpu.memory_space<hbm>>
      %dma_wait3A_45 = tpu.memref_squeeze %dma_wait3A_44 : memref<1x1x768xf32, #tpu.memory_space<hbm>> -> memref<768xf32, #tpu.memory_space<hbm>>
      tpu.wait_dma2 semaphore(%run_scoped3A : memref<!tpu.dma_semaphore, #tpu.memory_space<semaphore_mem>>) src(%arg5 : memref<768xf32, #tpu.memory_space<vmem>>) dst(%dma_wait3A_45 : memref<768xf32, #tpu.memory_space<hbm>>)
      tpu.yield
    }) : () -> ()
    %add3A_10 = arith.constant 32 : i32
    %add3A_11 = arith.addi %add3A, %add3A_10 : i32
    %shift_right_logical3A_12 = arith.constant 3 : i32
    %shift_right_logical3A_13 = arith.shrui %add3A_11, %shift_right_logical3A_12 : i32
    %and3A_14 = arith.constant 7 : i32
    %and3A_15 = arith.andi %add3A_11, %and3A_14 : i32
    %broadcast_in_dim3A_16 = vector.broadcast %shift_right_logical3A_13 : i32 to vector<16xi32>
    %scan3A_17 = arith.constant 0 : i32
    %scan3A_18 = arith.constant 0 : i32
    %scan3A_19 = arith.constant 48 : i32
    %scan3A_20 = arith.addi %scan3A_18, %scan3A_19 : i32
    %scan3A_21 = arith.constant 1 : i32
    scf.for %scan3A_36 = %scan3A_18 to %scan3A_20 step %scan3A_21  : i32 {
      %sub3A = arith.constant 1671 : i32
      %sub3A_37 = arith.subi %sub3A, %and3A_15 : i32
      %mul3A_38 = arith.constant 16 : i32
      %mul3A_39 = arith.muli %scan3A_36, %mul3A_38 : i32
      %add3A_40 = arith.addi %sub3A_37, %mul3A_39 : i32
      %iota3A = tpu.iota {dimensions = array<i32: 0>} : vector<16xi32>
      %add3A_41 = vector.broadcast %add3A_40 : i32 to vector<16xi32>
      %add3A_42 = arith.addi %add3A_41, %iota3A : vector<16xi32>
      %sub3A_43 = arith.constant 2047 : i32
      %sub3A_44 = vector.broadcast %sub3A_43 : i32 to vector<16xi32>
      %sub3A_45 = arith.subi %add3A_42, %sub3A_44 : vector<16xi32>
      %abs3A = math.absi %sub3A_45 : vector<16xi32>
      %broadcast_in_dim3A_46 = arith.constant 8 : i32
      %broadcast_in_dim3A_47 = vector.broadcast %broadcast_in_dim3A_46 : i32 to vector<16xi32>
      %ge3A = arith.constant 12 : i32
      %ge3A_48 = vector.broadcast %ge3A : i32 to vector<16xi32>
      %ge3A_49 = arith.cmpi sge, %abs3A, %ge3A_48 : vector<16xi32>
      %jit3A = arith.constant 1 : i32
      %jit3A_50 = arith.constant 0 : i32
      %broadcast_in_dim3A_51 = vector.broadcast %jit3A : i32 to vector<16xi32>
      %broadcast_in_dim3A_52 = vector.broadcast %jit3A_50 : i32 to vector<16xi32>
      %select_n3A = arith.select %ge3A_49, %broadcast_in_dim3A_51, %broadcast_in_dim3A_52 : vector<16xi1>, vector<16xi32>
      %add3A_53 = arith.addi %broadcast_in_dim3A_47, %select_n3A : vector<16xi32>
      %ge3A_54 = arith.constant 16 : i32
      %ge3A_55 = vector.broadcast %ge3A_54 : i32 to vector<16xi32>
      %ge3A_56 = arith.cmpi sge, %abs3A, %ge3A_55 : vector<16xi32>
      %jit3A_57 = arith.constant 1 : i32
      %jit3A_58 = arith.constant 0 : i32
      %broadcast_in_dim3A_59 = vector.broadcast %jit3A_57 : i32 to vector<16xi32>
      %broadcast_in_dim3A_60 = vector.broadcast %jit3A_58 : i32 to vector<16xi32>
      %select_n3A_61 = arith.select %ge3A_56, %broadcast_in_dim3A_59, %broadcast_in_dim3A_60 : vector<16xi1>, vector<16xi32>
      %add3A_62 = arith.addi %add3A_53, %select_n3A_61 : vector<16xi32>
      %ge3A_63 = arith.constant 23 : i32
      %ge3A_64 = vector.broadcast %ge3A_63 : i32 to vector<16xi32>
      %ge3A_65 = arith.cmpi sge, %abs3A, %ge3A_64 : vector<16xi32>
      %jit3A_66 = arith.constant 1 : i32
      %jit3A_67 = arith.constant 0 : i32
      %broadcast_in_dim3A_68 = vector.broadcast %jit3A_66 : i32 to vector<16xi32>
      %broadcast_in_dim3A_69 = vector.broadcast %jit3A_67 : i32 to vector<16xi32>
      %select_n3A_70 = arith.select %ge3A_65, %broadcast_in_dim3A_68, %broadcast_in_dim3A_69 : vector<16xi1>, vector<16xi32>
      %add3A_71 = arith.addi %add3A_62, %select_n3A_70 : vector<16xi32>
      %ge3A_72 = arith.constant 32 : i32
      %ge3A_73 = vector.broadcast %ge3A_72 : i32 to vector<16xi32>
      %ge3A_74 = arith.cmpi sge, %abs3A, %ge3A_73 : vector<16xi32>
      %jit3A_75 = arith.constant 1 : i32
      %jit3A_76 = arith.constant 0 : i32
      %broadcast_in_dim3A_77 = vector.broadcast %jit3A_75 : i32 to vector<16xi32>
      %broadcast_in_dim3A_78 = vector.broadcast %jit3A_76 : i32 to vector<16xi32>
      %select_n3A_79 = arith.select %ge3A_74, %broadcast_in_dim3A_77, %broadcast_in_dim3A_78 : vector<16xi1>, vector<16xi32>
      %add3A_80 = arith.addi %add3A_71, %select_n3A_79 : vector<16xi32>
      %ge3A_81 = arith.constant 46 : i32
      %ge3A_82 = vector.broadcast %ge3A_81 : i32 to vector<16xi32>
      %ge3A_83 = arith.cmpi sge, %abs3A, %ge3A_82 : vector<16xi32>
      %jit3A_84 = arith.constant 1 : i32
      %jit3A_85 = arith.constant 0 : i32
      %broadcast_in_dim3A_86 = vector.broadcast %jit3A_84 : i32 to vector<16xi32>
      %broadcast_in_dim3A_87 = vector.broadcast %jit3A_85 : i32 to vector<16xi32>
      %select_n3A_88 = arith.select %ge3A_83, %broadcast_in_dim3A_86, %broadcast_in_dim3A_87 : vector<16xi1>, vector<16xi32>
      %add3A_89 = arith.addi %add3A_80, %select_n3A_88 : vector<16xi32>
      %ge3A_90 = arith.constant 64 : i32
      %ge3A_91 = vector.broadcast %ge3A_90 : i32 to vector<16xi32>
      %ge3A_92 = arith.cmpi sge, %abs3A, %ge3A_91 : vector<16xi32>
      %jit3A_93 = arith.constant 1 : i32
      %jit3A_94 = arith.constant 0 : i32
      %broadcast_in_dim3A_95 = vector.broadcast %jit3A_93 : i32 to vector<16xi32>
      %broadcast_in_dim3A_96 = vector.broadcast %jit3A_94 : i32 to vector<16xi32>
      %select_n3A_97 = arith.select %ge3A_92, %broadcast_in_dim3A_95, %broadcast_in_dim3A_96 : vector<16xi1>, vector<16xi32>
      %add3A_98 = arith.addi %add3A_89, %select_n3A_97 : vector<16xi32>
      %ge3A_99 = arith.constant 91 : i32
      %ge3A_100 = vector.broadcast %ge3A_99 : i32 to vector<16xi32>
      %ge3A_101 = arith.cmpi sge, %abs3A, %ge3A_100 : vector<16xi32>
      %jit3A_102 = arith.constant 1 : i32
      %jit3A_103 = arith.constant 0 : i32
      %broadcast_in_dim3A_104 = vector.broadcast %jit3A_102 : i32 to vector<16xi32>
      %broadcast_in_dim3A_105 = vector.broadcast %jit3A_103 : i32 to vector<16xi32>
      %select_n3A_106 = arith.select %ge3A_101, %broadcast_in_dim3A_104, %broadcast_in_dim3A_105 : vector<16xi1>, vector<16xi32>
      %add3A_107 = arith.addi %add3A_98, %select_n3A_106 : vector<16xi32>
      %lt3A = arith.constant 8 : i32
      %lt3A_108 = vector.broadcast %lt3A : i32 to vector<16xi32>
      %lt3A_109 = arith.cmpi slt, %abs3A, %lt3A_108 : vector<16xi32>
      %select_n3A_110 = arith.select %lt3A_109, %abs3A, %add3A_107 : vector<16xi1>, vector<16xi32>
      %gt3A = arith.constant 0 : i32
      %gt3A_111 = vector.broadcast %gt3A : i32 to vector<16xi32>
      %gt3A_112 = arith.cmpi sgt, %sub3A_45, %gt3A_111 : vector<16xi32>
      %jit3A_113 = arith.constant 16 : i32
      %jit3A_114 = arith.constant 0 : i32
      %broadcast_in_dim3A_115 = vector.broadcast %jit3A_113 : i32 to vector<16xi32>
      %broadcast_in_dim3A_116 = vector.broadcast %jit3A_114 : i32 to vector<16xi32>
      %select_n3A_117 = arith.select %gt3A_112, %broadcast_in_dim3A_115, %broadcast_in_dim3A_116 : vector<16xi1>, vector<16xi32>
      %add3A_118 = arith.addi %select_n3A_110, %select_n3A_117 : vector<16xi32>
      %gather3A = tpu.vector_load_idx %arg4[%add3A_118, %broadcast_in_dim3A_16] : memref<32x12xf32, #tpu.memory_space<vmem>>[vector<16xi32>, vector<16xi32>], vector<16xf32>,
      %mul3A_119 = arith.constant 16 : i32
      %mul3A_120 = arith.muli %scan3A_36, %mul3A_119 : i32
      %swap3A = arith.index_cast %mul3A_120 : i32 to index
      %swap3A_121 = tpu.vector_load %arg5[%swap3A] {strides = array<i32>} : memref<768xf32, #tpu.memory_space<vmem>>, vector<16xf32>,
      tpu.vector_store %arg5[%swap3A], %gather3A {strides = array<i32>} : memref<768xf32, #tpu.memory_space<vmem>>, vector<16xf32>,
    }
    %scan3A_22 = arith.constant 48 : i32
    "tpu.region"() ({
      %run_scoped3A = tpu.sem_alloc : memref<!tpu.dma_semaphore, #tpu.memory_space<semaphore_mem>>
      %dma_start3A = arith.constant 0 : i32
      %dma_start3A_36 = tpu.memref_slice %arg3[%shift_right_logical3A_13, %and3A_15, %dma_start3A] : memref<12x8x768xf32, #tpu.memory_space<hbm>> -> memref<1x1x768xf32, #tpu.memory_space<hbm>>
      %dma_start3A_37 = tpu.memref_squeeze %dma_start3A_36 : memref<1x1x768xf32, #tpu.memory_space<hbm>> -> memref<768xf32, #tpu.memory_space<hbm>>
      %dma_start3A_38 = arith.constant 0 : i32
      %dma_start3A_39 = tpu.memref_slice %arg3[%shift_right_logical3A_13, %and3A_15, %dma_start3A_38] : memref<12x8x768xf32, #tpu.memory_space<hbm>> -> memref<1x1x768xf32, #tpu.memory_space<hbm>>
      %dma_start3A_40 = tpu.memref_squeeze %dma_start3A_39 : memref<1x1x768xf32, #tpu.memory_space<hbm>> -> memref<768xf32, #tpu.memory_space<hbm>>
      tpu.enqueue_dma source(%arg5 : memref<768xf32, #tpu.memory_space<vmem>>) target(%dma_start3A_40 : memref<768xf32, #tpu.memory_space<hbm>>) target_semaphore(%run_scoped3A : memref<!tpu.dma_semaphore, #tpu.memory_space<semaphore_mem>>)
      %dma_wait3A = arith.constant 0 : i32
      %dma_wait3A_41 = tpu.memref_slice %arg3[%shift_right_logical3A_13, %and3A_15, %dma_wait3A] : memref<12x8x768xf32, #tpu.memory_space<hbm>> -> memref<1x1x768xf32, #tpu.memory_space<hbm>>
      %dma_wait3A_42 = tpu.memref_squeeze %dma_wait3A_41 : memref<1x1x768xf32, #tpu.memory_space<hbm>> -> memref<768xf32, #tpu.memory_space<hbm>>
      %dma_wait3A_43 = arith.constant 0 : i32
      %dma_wait3A_44 = tpu.memref_slice %arg3[%shift_right_logical3A_13, %and3A_15, %dma_wait3A_43] : memref<12x8x768xf32, #tpu.memory_space<hbm>> -> memref<1x1x768xf32, #tpu.memory_space<hbm>>
      %dma_wait3A_45 = tpu.memref_squeeze %dma_wait3A_44 : memref<1x1x768xf32, #tpu.memory_space<hbm>> -> memref<768xf32, #tpu.memory_space<hbm>>
      tpu.wait_dma2 semaphore(%run_scoped3A : memref<!tpu.dma_semaphore, #tpu.memory_space<semaphore_mem>>) src(%arg5 : memref<768xf32, #tpu.memory_space<vmem>>) dst(%dma_wait3A_45 : memref<768xf32, #tpu.memory_space<hbm>>)
      tpu.yield
    }) : () -> ()
    %add3A_23 = arith.constant 64 : i32
    %add3A_24 = arith.addi %add3A, %add3A_23 : i32
    %shift_right_logical3A_25 = arith.constant 3 : i32
    %shift_right_logical3A_26 = arith.shrui %add3A_24, %shift_right_logical3A_25 : i32
    %and3A_27 = arith.constant 7 : i32
    %and3A_28 = arith.andi %add3A_24, %and3A_27 : i32
    %broadcast_in_dim3A_29 = vector.broadcast %shift_right_logical3A_26 : i32 to vector<16xi32>
    %scan3A_30 = arith.constant 0 : i32
    %scan3A_31 = arith.constant 0 : i32
    %scan3A_32 = arith.constant 48 : i32
    %scan3A_33 = arith.addi %scan3A_31, %scan3A_32 : i32
    %scan3A_34 = arith.constant 1 : i32
    scf.for %scan3A_36 = %scan3A_31 to %scan3A_33 step %scan3A_34  : i32 {
      %sub3A = arith.constant 1671 : i32
      %sub3A_37 = arith.subi %sub3A, %and3A_28 : i32
      %mul3A_38 = arith.constant 16 : i32
      %mul3A_39 = arith.muli %scan3A_36, %mul3A_38 : i32
      %add3A_40 = arith.addi %sub3A_37, %mul3A_39 : i32
      %iota3A = tpu.iota {dimensions = array<i32: 0>} : vector<16xi32>
      %add3A_41 = vector.broadcast %add3A_40 : i32 to vector<16xi32>
      %add3A_42 = arith.addi %add3A_41, %iota3A : vector<16xi32>
      %sub3A_43 = arith.constant 2047 : i32
      %sub3A_44 = vector.broadcast %sub3A_43 : i32 to vector<16xi32>
      %sub3A_45 = arith.subi %add3A_42, %sub3A_44 : vector<16xi32>
      %abs3A = math.absi %sub3A_45 : vector<16xi32>
      %broadcast_in_dim3A_46 = arith.constant 8 : i32
      %broadcast_in_dim3A_47 = vector.broadcast %broadcast_in_dim3A_46 : i32 to vector<16xi32>
      %ge3A = arith.constant 12 : i32
      %ge3A_48 = vector.broadcast %ge3A : i32 to vector<16xi32>
      %ge3A_49 = arith.cmpi sge, %abs3A, %ge3A_48 : vector<16xi32>
      %jit3A = arith.constant 1 : i32
      %jit3A_50 = arith.constant 0 : i32
      %broadcast_in_dim3A_51 = vector.broadcast %jit3A : i32 to vector<16xi32>
      %broadcast_in_dim3A_52 = vector.broadcast %jit3A_50 : i32 to vector<16xi32>
      %select_n3A = arith.select %ge3A_49, %broadcast_in_dim3A_51, %broadcast_in_dim3A_52 : vector<16xi1>, vector<16xi32>
      %add3A_53 = arith.addi %broadcast_in_dim3A_47, %select_n3A : vector<16xi32>
      %ge3A_54 = arith.constant 16 : i32
      %ge3A_55 = vector.broadcast %ge3A_54 : i32 to vector<16xi32>
      %ge3A_56 = arith.cmpi sge, %abs3A, %ge3A_55 : vector<16xi32>
      %jit3A_57 = arith.constant 1 : i32
      %jit3A_58 = arith.constant 0 : i32
      %broadcast_in_dim3A_59 = vector.broadcast %jit3A_57 : i32 to vector<16xi32>
      %broadcast_in_dim3A_60 = vector.broadcast %jit3A_58 : i32 to vector<16xi32>
      %select_n3A_61 = arith.select %ge3A_56, %broadcast_in_dim3A_59, %broadcast_in_dim3A_60 : vector<16xi1>, vector<16xi32>
      %add3A_62 = arith.addi %add3A_53, %select_n3A_61 : vector<16xi32>
      %ge3A_63 = arith.constant 23 : i32
      %ge3A_64 = vector.broadcast %ge3A_63 : i32 to vector<16xi32>
      %ge3A_65 = arith.cmpi sge, %abs3A, %ge3A_64 : vector<16xi32>
      %jit3A_66 = arith.constant 1 : i32
      %jit3A_67 = arith.constant 0 : i32
      %broadcast_in_dim3A_68 = vector.broadcast %jit3A_66 : i32 to vector<16xi32>
      %broadcast_in_dim3A_69 = vector.broadcast %jit3A_67 : i32 to vector<16xi32>
      %select_n3A_70 = arith.select %ge3A_65, %broadcast_in_dim3A_68, %broadcast_in_dim3A_69 : vector<16xi1>, vector<16xi32>
      %add3A_71 = arith.addi %add3A_62, %select_n3A_70 : vector<16xi32>
      %ge3A_72 = arith.constant 32 : i32
      %ge3A_73 = vector.broadcast %ge3A_72 : i32 to vector<16xi32>
      %ge3A_74 = arith.cmpi sge, %abs3A, %ge3A_73 : vector<16xi32>
      %jit3A_75 = arith.constant 1 : i32
      %jit3A_76 = arith.constant 0 : i32
      %broadcast_in_dim3A_77 = vector.broadcast %jit3A_75 : i32 to vector<16xi32>
      %broadcast_in_dim3A_78 = vector.broadcast %jit3A_76 : i32 to vector<16xi32>
      %select_n3A_79 = arith.select %ge3A_74, %broadcast_in_dim3A_77, %broadcast_in_dim3A_78 : vector<16xi1>, vector<16xi32>
      %add3A_80 = arith.addi %add3A_71, %select_n3A_79 : vector<16xi32>
      %ge3A_81 = arith.constant 46 : i32
      %ge3A_82 = vector.broadcast %ge3A_81 : i32 to vector<16xi32>
      %ge3A_83 = arith.cmpi sge, %abs3A, %ge3A_82 : vector<16xi32>
      %jit3A_84 = arith.constant 1 : i32
      %jit3A_85 = arith.constant 0 : i32
      %broadcast_in_dim3A_86 = vector.broadcast %jit3A_84 : i32 to vector<16xi32>
      %broadcast_in_dim3A_87 = vector.broadcast %jit3A_85 : i32 to vector<16xi32>
      %select_n3A_88 = arith.select %ge3A_83, %broadcast_in_dim3A_86, %broadcast_in_dim3A_87 : vector<16xi1>, vector<16xi32>
      %add3A_89 = arith.addi %add3A_80, %select_n3A_88 : vector<16xi32>
      %ge3A_90 = arith.constant 64 : i32
      %ge3A_91 = vector.broadcast %ge3A_90 : i32 to vector<16xi32>
      %ge3A_92 = arith.cmpi sge, %abs3A, %ge3A_91 : vector<16xi32>
      %jit3A_93 = arith.constant 1 : i32
      %jit3A_94 = arith.constant 0 : i32
      %broadcast_in_dim3A_95 = vector.broadcast %jit3A_93 : i32 to vector<16xi32>
      %broadcast_in_dim3A_96 = vector.broadcast %jit3A_94 : i32 to vector<16xi32>
      %select_n3A_97 = arith.select %ge3A_92, %broadcast_in_dim3A_95, %broadcast_in_dim3A_96 : vector<16xi1>, vector<16xi32>
      %add3A_98 = arith.addi %add3A_89, %select_n3A_97 : vector<16xi32>
      %ge3A_99 = arith.constant 91 : i32
      %ge3A_100 = vector.broadcast %ge3A_99 : i32 to vector<16xi32>
      %ge3A_101 = arith.cmpi sge, %abs3A, %ge3A_100 : vector<16xi32>
      %jit3A_102 = arith.constant 1 : i32
      %jit3A_103 = arith.constant 0 : i32
      %broadcast_in_dim3A_104 = vector.broadcast %jit3A_102 : i32 to vector<16xi32>
      %broadcast_in_dim3A_105 = vector.broadcast %jit3A_103 : i32 to vector<16xi32>
      %select_n3A_106 = arith.select %ge3A_101, %broadcast_in_dim3A_104, %broadcast_in_dim3A_105 : vector<16xi1>, vector<16xi32>
      %add3A_107 = arith.addi %add3A_98, %select_n3A_106 : vector<16xi32>
      %lt3A = arith.constant 8 : i32
      %lt3A_108 = vector.broadcast %lt3A : i32 to vector<16xi32>
      %lt3A_109 = arith.cmpi slt, %abs3A, %lt3A_108 : vector<16xi32>
      %select_n3A_110 = arith.select %lt3A_109, %abs3A, %add3A_107 : vector<16xi1>, vector<16xi32>
      %gt3A = arith.constant 0 : i32
      %gt3A_111 = vector.broadcast %gt3A : i32 to vector<16xi32>
      %gt3A_112 = arith.cmpi sgt, %sub3A_45, %gt3A_111 : vector<16xi32>
      %jit3A_113 = arith.constant 16 : i32
      %jit3A_114 = arith.constant 0 : i32
      %broadcast_in_dim3A_115 = vector.broadcast %jit3A_113 : i32 to vector<16xi32>
      %broadcast_in_dim3A_116 = vector.broadcast %jit3A_114 : i32 to vector<16xi32>
      %select_n3A_117 = arith.select %gt3A_112, %broadcast_in_dim3A_115, %broadcast_in_dim3A_116 : vector<16xi1>, vector<16xi32>
      %add3A_118 = arith.addi %select_n3A_110, %select_n3A_117 : vector<16xi32>
      %gather3A = tpu.vector_load_idx %arg4[%add3A_118, %broadcast_in_dim3A_29] : memref<32x12xf32, #tpu.memory_space<vmem>>[vector<16xi32>, vector<16xi32>], vector<16xf32>,
      %mul3A_119 = arith.constant 16 : i32
      %mul3A_120 = arith.muli %scan3A_36, %mul3A_119 : i32
      %swap3A = arith.index_cast %mul3A_120 : i32 to index
      %swap3A_121 = tpu.vector_load %arg5[%swap3A] {strides = array<i32>} : memref<768xf32, #tpu.memory_space<vmem>>, vector<16xf32>,
      tpu.vector_store %arg5[%swap3A], %gather3A {strides = array<i32>} : memref<768xf32, #tpu.memory_space<vmem>>, vector<16xf32>,
    }
    %scan3A_35 = arith.constant 48 : i32
    "tpu.region"() ({
      %run_scoped3A = tpu.sem_alloc : memref<!tpu.dma_semaphore, #tpu.memory_space<semaphore_mem>>
      %dma_start3A = arith.constant 0 : i32
      %dma_start3A_36 = tpu.memref_slice %arg3[%shift_right_logical3A_26, %and3A_28, %dma_start3A] : memref<12x8x768xf32, #tpu.memory_space<hbm>> -> memref<1x1x768xf32, #tpu.memory_space<hbm>>
      %dma_start3A_37 = tpu.memref_squeeze %dma_start3A_36 : memref<1x1x768xf32, #tpu.memory_space<hbm>> -> memref<768xf32, #tpu.memory_space<hbm>>
      %dma_start3A_38 = arith.constant 0 : i32
      %dma_start3A_39 = tpu.memref_slice %arg3[%shift_right_logical3A_26, %and3A_28, %dma_start3A_38] : memref<12x8x768xf32, #tpu.memory_space<hbm>> -> memref<1x1x768xf32, #tpu.memory_space<hbm>>
      %dma_start3A_40 = tpu.memref_squeeze %dma_start3A_39 : memref<1x1x768xf32, #tpu.memory_space<hbm>> -> memref<768xf32, #tpu.memory_space<hbm>>
      tpu.enqueue_dma source(%arg5 : memref<768xf32, #tpu.memory_space<vmem>>) target(%dma_start3A_40 : memref<768xf32, #tpu.memory_space<hbm>>) target_semaphore(%run_scoped3A : memref<!tpu.dma_semaphore, #tpu.memory_space<semaphore_mem>>)
      %dma_wait3A = arith.constant 0 : i32
      %dma_wait3A_41 = tpu.memref_slice %arg3[%shift_right_logical3A_26, %and3A_28, %dma_wait3A] : memref<12x8x768xf32, #tpu.memory_space<hbm>> -> memref<1x1x768xf32, #tpu.memory_space<hbm>>
      %dma_wait3A_42 = tpu.memref_squeeze %dma_wait3A_41 : memref<1x1x768xf32, #tpu.memory_space<hbm>> -> memref<768xf32, #tpu.memory_space<hbm>>
      %dma_wait3A_43 = arith.constant 0 : i32
      %dma_wait3A_44 = tpu.memref_slice %arg3[%shift_right_logical3A_26, %and3A_28, %dma_wait3A_43] : memref<12x8x768xf32, #tpu.memory_space<hbm>> -> memref<1x1x768xf32, #tpu.memory_space<hbm>>
      %dma_wait3A_45 = tpu.memref_squeeze %dma_wait3A_44 : memref<1x1x768xf32, #tpu.memory_space<hbm>> -> memref<768xf32, #tpu.memory_space<hbm>>
      tpu.wait_dma2 semaphore(%run_scoped3A : memref<!tpu.dma_semaphore, #tpu.memory_space<semaphore_mem>>) src(%arg5 : memref<768xf32, #tpu.memory_space<vmem>>) dst(%dma_wait3A_45 : memref<768xf32, #tpu.memory_space<hbm>>)
      tpu.yield
    }) : () -> ()
    return
  }
}

module attributes {stable_mosaic.version = 14 : i64} {
  func.func @_tc_body(%arg0: i32, %arg1: i32, %arg2: memref<32x12xf32, #tpu.memory_space<smem>>, %arg3: memref<1x8x768xf32, #tpu.memory_space<vmem>>, %arg4: memref<1x128x2048xf32, #tpu.memory_space<vmem>>) attributes {dimension_semantics = [#tpu.dimension_semantics<parallel>, #tpu.dimension_semantics<parallel>], iteration_bounds = array<i64: 12, 16>, scalar_prefetch = 0 : i64, scratch_operands = 0 : i64, tpu.core_type = #tpu.core_type<tc>, window_params = [{transform_indices = @transform_0, window_bounds = array<i64: 32, 12>}, {transform_indices = @transform_1, window_bounds = array<i64: 1, 8, 768>}, {transform_indices = @transform_2, window_bounds = array<i64: 1, 128, 2048>}]} {
    %get3A = arith.constant 15 : index
    %get3A_0 = arith.index_cast %arg0 : i32 to index
    %get3A_1 = memref.load %arg2[%get3A, %get3A_0] : memref<32x12xf32, #tpu.memory_space<smem>>
    %get3A_2 = arith.constant 31 : index
    %get3A_3 = arith.index_cast %arg0 : i32 to index
    %get3A_4 = memref.load %arg2[%get3A_2, %get3A_3] : memref<32x12xf32, #tpu.memory_space<smem>>
    %gt3A = arith.constant 0 : i32
    %gt3A_5 = arith.cmpi sgt, %arg1, %gt3A : i32
    %select_n3A = arith.select %gt3A_5, %get3A_1, %get3A_4 : f32
    %broadcast_in_dim3A = vector.broadcast %select_n3A : f32 to vector<128x128xf32>
    %swap3A = arith.constant 0 : index
    %swap3A_6 = arith.constant 0 : index
    %swap3A_7 = arith.constant 0 : index
    %swap3A_8 = vector.load %arg4[%swap3A, %swap3A_6, %swap3A_7] : memref<1x128x2048xf32, #tpu.memory_space<vmem>>, vector<1x128x128xf32>
    %swap3A_9 = vector.shape_cast %swap3A_8 : vector<1x128x128xf32> to vector<128x128xf32>
    %swap3A_10 = vector.shape_cast %broadcast_in_dim3A : vector<128x128xf32> to vector<1x128x128xf32>
    tpu.vector_store %arg4[%swap3A, %swap3A_6, %swap3A_7], %swap3A_10 {strides = array<i32>} : memref<1x128x2048xf32, #tpu.memory_space<vmem>>, vector<1x128x128xf32>,
    %gt3A_11 = arith.constant 1 : i32
    %gt3A_12 = arith.cmpi sgt, %arg1, %gt3A_11 : i32
    %select_n3A_13 = arith.select %gt3A_12, %get3A_1, %get3A_4 : f32
    %broadcast_in_dim3A_14 = vector.broadcast %select_n3A_13 : f32 to vector<128x128xf32>
    %swap3A_15 = arith.constant 0 : index
    %swap3A_16 = arith.constant 0 : index
    %swap3A_17 = arith.constant 128 : index
    %swap3A_18 = vector.load %arg4[%swap3A_15, %swap3A_16, %swap3A_17] : memref<1x128x2048xf32, #tpu.memory_space<vmem>>, vector<1x128x128xf32>
    %swap3A_19 = vector.shape_cast %swap3A_18 : vector<1x128x128xf32> to vector<128x128xf32>
    %swap3A_20 = vector.shape_cast %broadcast_in_dim3A_14 : vector<128x128xf32> to vector<1x128x128xf32>
    tpu.vector_store %arg4[%swap3A_15, %swap3A_16, %swap3A_17], %swap3A_20 {strides = array<i32>} : memref<1x128x2048xf32, #tpu.memory_space<vmem>>, vector<1x128x128xf32>,
    %gt3A_21 = arith.constant 2 : i32
    %gt3A_22 = arith.cmpi sgt, %arg1, %gt3A_21 : i32
    %select_n3A_23 = arith.select %gt3A_22, %get3A_1, %get3A_4 : f32
    %broadcast_in_dim3A_24 = vector.broadcast %select_n3A_23 : f32 to vector<128x128xf32>
    %swap3A_25 = arith.constant 0 : index
    %swap3A_26 = arith.constant 0 : index
    %swap3A_27 = arith.constant 256 : index
    %swap3A_28 = vector.load %arg4[%swap3A_25, %swap3A_26, %swap3A_27] : memref<1x128x2048xf32, #tpu.memory_space<vmem>>, vector<1x128x128xf32>
    %swap3A_29 = vector.shape_cast %swap3A_28 : vector<1x128x128xf32> to vector<128x128xf32>
    %swap3A_30 = vector.shape_cast %broadcast_in_dim3A_24 : vector<128x128xf32> to vector<1x128x128xf32>
    tpu.vector_store %arg4[%swap3A_25, %swap3A_26, %swap3A_27], %swap3A_30 {strides = array<i32>} : memref<1x128x2048xf32, #tpu.memory_space<vmem>>, vector<1x128x128xf32>,
    %gt3A_31 = arith.constant 3 : i32
    %gt3A_32 = arith.cmpi sgt, %arg1, %gt3A_31 : i32
    %select_n3A_33 = arith.select %gt3A_32, %get3A_1, %get3A_4 : f32
    %broadcast_in_dim3A_34 = vector.broadcast %select_n3A_33 : f32 to vector<128x128xf32>
    %swap3A_35 = arith.constant 0 : index
    %swap3A_36 = arith.constant 0 : index
    %swap3A_37 = arith.constant 384 : index
    %swap3A_38 = vector.load %arg4[%swap3A_35, %swap3A_36, %swap3A_37] : memref<1x128x2048xf32, #tpu.memory_space<vmem>>, vector<1x128x128xf32>
    %swap3A_39 = vector.shape_cast %swap3A_38 : vector<1x128x128xf32> to vector<128x128xf32>
    %swap3A_40 = vector.shape_cast %broadcast_in_dim3A_34 : vector<128x128xf32> to vector<1x128x128xf32>
    tpu.vector_store %arg4[%swap3A_35, %swap3A_36, %swap3A_37], %swap3A_40 {strides = array<i32>} : memref<1x128x2048xf32, #tpu.memory_space<vmem>>, vector<1x128x128xf32>,
    %gt3A_41 = arith.constant 4 : i32
    %gt3A_42 = arith.cmpi sgt, %arg1, %gt3A_41 : i32
    %select_n3A_43 = arith.select %gt3A_42, %get3A_1, %get3A_4 : f32
    %broadcast_in_dim3A_44 = vector.broadcast %select_n3A_43 : f32 to vector<128x128xf32>
    %swap3A_45 = arith.constant 0 : index
    %swap3A_46 = arith.constant 0 : index
    %swap3A_47 = arith.constant 512 : index
    %swap3A_48 = vector.load %arg4[%swap3A_45, %swap3A_46, %swap3A_47] : memref<1x128x2048xf32, #tpu.memory_space<vmem>>, vector<1x128x128xf32>
    %swap3A_49 = vector.shape_cast %swap3A_48 : vector<1x128x128xf32> to vector<128x128xf32>
    %swap3A_50 = vector.shape_cast %broadcast_in_dim3A_44 : vector<128x128xf32> to vector<1x128x128xf32>
    tpu.vector_store %arg4[%swap3A_45, %swap3A_46, %swap3A_47], %swap3A_50 {strides = array<i32>} : memref<1x128x2048xf32, #tpu.memory_space<vmem>>, vector<1x128x128xf32>,
    %gt3A_51 = arith.constant 5 : i32
    %gt3A_52 = arith.cmpi sgt, %arg1, %gt3A_51 : i32
    %select_n3A_53 = arith.select %gt3A_52, %get3A_1, %get3A_4 : f32
    %broadcast_in_dim3A_54 = vector.broadcast %select_n3A_53 : f32 to vector<128x128xf32>
    %swap3A_55 = arith.constant 0 : index
    %swap3A_56 = arith.constant 0 : index
    %swap3A_57 = arith.constant 640 : index
    %swap3A_58 = vector.load %arg4[%swap3A_55, %swap3A_56, %swap3A_57] : memref<1x128x2048xf32, #tpu.memory_space<vmem>>, vector<1x128x128xf32>
    %swap3A_59 = vector.shape_cast %swap3A_58 : vector<1x128x128xf32> to vector<128x128xf32>
    %swap3A_60 = vector.shape_cast %broadcast_in_dim3A_54 : vector<128x128xf32> to vector<1x128x128xf32>
    tpu.vector_store %arg4[%swap3A_55, %swap3A_56, %swap3A_57], %swap3A_60 {strides = array<i32>} : memref<1x128x2048xf32, #tpu.memory_space<vmem>>, vector<1x128x128xf32>,
    %gt3A_61 = arith.constant 6 : i32
    %gt3A_62 = arith.cmpi sgt, %arg1, %gt3A_61 : i32
    %select_n3A_63 = arith.select %gt3A_62, %get3A_1, %get3A_4 : f32
    %broadcast_in_dim3A_64 = vector.broadcast %select_n3A_63 : f32 to vector<128x128xf32>
    %swap3A_65 = arith.constant 0 : index
    %swap3A_66 = arith.constant 0 : index
    %swap3A_67 = arith.constant 768 : index
    %swap3A_68 = vector.load %arg4[%swap3A_65, %swap3A_66, %swap3A_67] : memref<1x128x2048xf32, #tpu.memory_space<vmem>>, vector<1x128x128xf32>
    %swap3A_69 = vector.shape_cast %swap3A_68 : vector<1x128x128xf32> to vector<128x128xf32>
    %swap3A_70 = vector.shape_cast %broadcast_in_dim3A_64 : vector<128x128xf32> to vector<1x128x128xf32>
    tpu.vector_store %arg4[%swap3A_65, %swap3A_66, %swap3A_67], %swap3A_70 {strides = array<i32>} : memref<1x128x2048xf32, #tpu.memory_space<vmem>>, vector<1x128x128xf32>,
    %gt3A_71 = arith.constant 7 : i32
    %gt3A_72 = arith.cmpi sgt, %arg1, %gt3A_71 : i32
    %select_n3A_73 = arith.select %gt3A_72, %get3A_1, %get3A_4 : f32
    %broadcast_in_dim3A_74 = vector.broadcast %select_n3A_73 : f32 to vector<128x128xf32>
    %swap3A_75 = arith.constant 0 : index
    %swap3A_76 = arith.constant 0 : index
    %swap3A_77 = arith.constant 896 : index
    %swap3A_78 = vector.load %arg4[%swap3A_75, %swap3A_76, %swap3A_77] : memref<1x128x2048xf32, #tpu.memory_space<vmem>>, vector<1x128x128xf32>
    %swap3A_79 = vector.shape_cast %swap3A_78 : vector<1x128x128xf32> to vector<128x128xf32>
    %swap3A_80 = vector.shape_cast %broadcast_in_dim3A_74 : vector<128x128xf32> to vector<1x128x128xf32>
    tpu.vector_store %arg4[%swap3A_75, %swap3A_76, %swap3A_77], %swap3A_80 {strides = array<i32>} : memref<1x128x2048xf32, #tpu.memory_space<vmem>>, vector<1x128x128xf32>,
    %gt3A_81 = arith.constant 8 : i32
    %gt3A_82 = arith.cmpi sgt, %arg1, %gt3A_81 : i32
    %select_n3A_83 = arith.select %gt3A_82, %get3A_1, %get3A_4 : f32
    %broadcast_in_dim3A_84 = vector.broadcast %select_n3A_83 : f32 to vector<128x128xf32>
    %swap3A_85 = arith.constant 0 : index
    %swap3A_86 = arith.constant 0 : index
    %swap3A_87 = arith.constant 1024 : index
    %swap3A_88 = vector.load %arg4[%swap3A_85, %swap3A_86, %swap3A_87] : memref<1x128x2048xf32, #tpu.memory_space<vmem>>, vector<1x128x128xf32>
    %swap3A_89 = vector.shape_cast %swap3A_88 : vector<1x128x128xf32> to vector<128x128xf32>
    %swap3A_90 = vector.shape_cast %broadcast_in_dim3A_84 : vector<128x128xf32> to vector<1x128x128xf32>
    tpu.vector_store %arg4[%swap3A_85, %swap3A_86, %swap3A_87], %swap3A_90 {strides = array<i32>} : memref<1x128x2048xf32, #tpu.memory_space<vmem>>, vector<1x128x128xf32>,
    %gt3A_91 = arith.constant 9 : i32
    %gt3A_92 = arith.cmpi sgt, %arg1, %gt3A_91 : i32
    %select_n3A_93 = arith.select %gt3A_92, %get3A_1, %get3A_4 : f32
    %broadcast_in_dim3A_94 = vector.broadcast %select_n3A_93 : f32 to vector<128x128xf32>
    %swap3A_95 = arith.constant 0 : index
    %swap3A_96 = arith.constant 0 : index
    %swap3A_97 = arith.constant 1152 : index
    %swap3A_98 = vector.load %arg4[%swap3A_95, %swap3A_96, %swap3A_97] : memref<1x128x2048xf32, #tpu.memory_space<vmem>>, vector<1x128x128xf32>
    %swap3A_99 = vector.shape_cast %swap3A_98 : vector<1x128x128xf32> to vector<128x128xf32>
    %swap3A_100 = vector.shape_cast %broadcast_in_dim3A_94 : vector<128x128xf32> to vector<1x128x128xf32>
    tpu.vector_store %arg4[%swap3A_95, %swap3A_96, %swap3A_97], %swap3A_100 {strides = array<i32>} : memref<1x128x2048xf32, #tpu.memory_space<vmem>>, vector<1x128x128xf32>,
    %gt3A_101 = arith.constant 10 : i32
    %gt3A_102 = arith.cmpi sgt, %arg1, %gt3A_101 : i32
    %select_n3A_103 = arith.select %gt3A_102, %get3A_1, %get3A_4 : f32
    %broadcast_in_dim3A_104 = vector.broadcast %select_n3A_103 : f32 to vector<128x128xf32>
    %swap3A_105 = arith.constant 0 : index
    %swap3A_106 = arith.constant 0 : index
    %swap3A_107 = arith.constant 1280 : index
    %swap3A_108 = vector.load %arg4[%swap3A_105, %swap3A_106, %swap3A_107] : memref<1x128x2048xf32, #tpu.memory_space<vmem>>, vector<1x128x128xf32>
    %swap3A_109 = vector.shape_cast %swap3A_108 : vector<1x128x128xf32> to vector<128x128xf32>
    %swap3A_110 = vector.shape_cast %broadcast_in_dim3A_104 : vector<128x128xf32> to vector<1x128x128xf32>
    tpu.vector_store %arg4[%swap3A_105, %swap3A_106, %swap3A_107], %swap3A_110 {strides = array<i32>} : memref<1x128x2048xf32, #tpu.memory_space<vmem>>, vector<1x128x128xf32>,
    %gt3A_111 = arith.constant 11 : i32
    %gt3A_112 = arith.cmpi sgt, %arg1, %gt3A_111 : i32
    %select_n3A_113 = arith.select %gt3A_112, %get3A_1, %get3A_4 : f32
    %broadcast_in_dim3A_114 = vector.broadcast %select_n3A_113 : f32 to vector<128x128xf32>
    %swap3A_115 = arith.constant 0 : index
    %swap3A_116 = arith.constant 0 : index
    %swap3A_117 = arith.constant 1408 : index
    %swap3A_118 = vector.load %arg4[%swap3A_115, %swap3A_116, %swap3A_117] : memref<1x128x2048xf32, #tpu.memory_space<vmem>>, vector<1x128x128xf32>
    %swap3A_119 = vector.shape_cast %swap3A_118 : vector<1x128x128xf32> to vector<128x128xf32>
    %swap3A_120 = vector.shape_cast %broadcast_in_dim3A_114 : vector<128x128xf32> to vector<1x128x128xf32>
    tpu.vector_store %arg4[%swap3A_115, %swap3A_116, %swap3A_117], %swap3A_120 {strides = array<i32>} : memref<1x128x2048xf32, #tpu.memory_space<vmem>>, vector<1x128x128xf32>,
    %gt3A_121 = arith.constant 12 : i32
    %gt3A_122 = arith.cmpi sgt, %arg1, %gt3A_121 : i32
    %select_n3A_123 = arith.select %gt3A_122, %get3A_1, %get3A_4 : f32
    %broadcast_in_dim3A_124 = vector.broadcast %select_n3A_123 : f32 to vector<128x128xf32>
    %swap3A_125 = arith.constant 0 : index
    %swap3A_126 = arith.constant 0 : index
    %swap3A_127 = arith.constant 1536 : index
    %swap3A_128 = vector.load %arg4[%swap3A_125, %swap3A_126, %swap3A_127] : memref<1x128x2048xf32, #tpu.memory_space<vmem>>, vector<1x128x128xf32>
    %swap3A_129 = vector.shape_cast %swap3A_128 : vector<1x128x128xf32> to vector<128x128xf32>
    %swap3A_130 = vector.shape_cast %broadcast_in_dim3A_124 : vector<128x128xf32> to vector<1x128x128xf32>
    tpu.vector_store %arg4[%swap3A_125, %swap3A_126, %swap3A_127], %swap3A_130 {strides = array<i32>} : memref<1x128x2048xf32, #tpu.memory_space<vmem>>, vector<1x128x128xf32>,
    %gt3A_131 = arith.constant 13 : i32
    %gt3A_132 = arith.cmpi sgt, %arg1, %gt3A_131 : i32
    %select_n3A_133 = arith.select %gt3A_132, %get3A_1, %get3A_4 : f32
    %broadcast_in_dim3A_134 = vector.broadcast %select_n3A_133 : f32 to vector<128x128xf32>
    %swap3A_135 = arith.constant 0 : index
    %swap3A_136 = arith.constant 0 : index
    %swap3A_137 = arith.constant 1664 : index
    %swap3A_138 = vector.load %arg4[%swap3A_135, %swap3A_136, %swap3A_137] : memref<1x128x2048xf32, #tpu.memory_space<vmem>>, vector<1x128x128xf32>
    %swap3A_139 = vector.shape_cast %swap3A_138 : vector<1x128x128xf32> to vector<128x128xf32>
    %swap3A_140 = vector.shape_cast %broadcast_in_dim3A_134 : vector<128x128xf32> to vector<1x128x128xf32>
    tpu.vector_store %arg4[%swap3A_135, %swap3A_136, %swap3A_137], %swap3A_140 {strides = array<i32>} : memref<1x128x2048xf32, #tpu.memory_space<vmem>>, vector<1x128x128xf32>,
    %gt3A_141 = arith.constant 14 : i32
    %gt3A_142 = arith.cmpi sgt, %arg1, %gt3A_141 : i32
    %select_n3A_143 = arith.select %gt3A_142, %get3A_1, %get3A_4 : f32
    %broadcast_in_dim3A_144 = vector.broadcast %select_n3A_143 : f32 to vector<128x128xf32>
    %swap3A_145 = arith.constant 0 : index
    %swap3A_146 = arith.constant 0 : index
    %swap3A_147 = arith.constant 1792 : index
    %swap3A_148 = vector.load %arg4[%swap3A_145, %swap3A_146, %swap3A_147] : memref<1x128x2048xf32, #tpu.memory_space<vmem>>, vector<1x128x128xf32>
    %swap3A_149 = vector.shape_cast %swap3A_148 : vector<1x128x128xf32> to vector<128x128xf32>
    %swap3A_150 = vector.shape_cast %broadcast_in_dim3A_144 : vector<128x128xf32> to vector<1x128x128xf32>
    tpu.vector_store %arg4[%swap3A_145, %swap3A_146, %swap3A_147], %swap3A_150 {strides = array<i32>} : memref<1x128x2048xf32, #tpu.memory_space<vmem>>, vector<1x128x128xf32>,
    %gt3A_151 = arith.constant 15 : i32
    %gt3A_152 = arith.cmpi sgt, %arg1, %gt3A_151 : i32
    %select_n3A_153 = arith.select %gt3A_152, %get3A_1, %get3A_4 : f32
    %broadcast_in_dim3A_154 = vector.broadcast %select_n3A_153 : f32 to vector<128x128xf32>
    %swap3A_155 = arith.constant 0 : index
    %swap3A_156 = arith.constant 0 : index
    %swap3A_157 = arith.constant 1920 : index
    %swap3A_158 = vector.load %arg4[%swap3A_155, %swap3A_156, %swap3A_157] : memref<1x128x2048xf32, #tpu.memory_space<vmem>>, vector<1x128x128xf32>
    %swap3A_159 = vector.shape_cast %swap3A_158 : vector<1x128x128xf32> to vector<128x128xf32>
    %swap3A_160 = vector.shape_cast %broadcast_in_dim3A_154 : vector<128x128xf32> to vector<1x128x128xf32>
    tpu.vector_store %arg4[%swap3A_155, %swap3A_156, %swap3A_157], %swap3A_160 {strides = array<i32>} : memref<1x128x2048xf32, #tpu.memory_space<vmem>>, vector<1x128x128xf32>,
    %add3A = arith.constant -1 : i32
    %add3A_161 = arith.addi %arg1, %add3A : i32
    %ge3A = arith.constant 0 : i32
    %ge3A_162 = arith.cmpi sge, %add3A_161, %ge3A : i32
    %add3A_163 = arith.constant -1 : i32
    %add3A_164 = arith.addi %arg1, %add3A_163 : i32
    %le3A = arith.constant 15 : i32
    %le3A_165 = arith.cmpi sle, %add3A_164, %le3A : i32
    %and3A = arith.andi %ge3A_162, %le3A_165 : i1
    %convert_element_type3A = arith.extui %and3A : i1 to i32
    %cond3A = arith.constant 0 : i32
    %cond3A_166 = arith.cmpi ne, %convert_element_type3A, %cond3A : i32
    scf.if %cond3A_166 {
      %get3A_191 = arith.constant 0 : index
      %get3A_192 = arith.constant 0 : index
      %get3A_193 = arith.constant 248 : index
      %get3A_194 = vector.load %arg3[%get3A_191, %get3A_192, %get3A_193] : memref<1x8x768xf32, #tpu.memory_space<vmem>>, vector<1x8x128xf32>
      %get3A_195 = vector.shape_cast %get3A_194 : vector<1x8x128xf32> to vector<8x128xf32>
      %get3A_196 = arith.constant 0 : index
      %get3A_197 = arith.constant 0 : index
      %get3A_198 = arith.constant 240 : index
      %get3A_199 = vector.load %arg3[%get3A_196, %get3A_197, %get3A_198] : memref<1x8x768xf32, #tpu.memory_space<vmem>>, vector<1x8x128xf32>
      %get3A_200 = vector.shape_cast %get3A_199 : vector<1x8x128xf32> to vector<8x128xf32>
      %get3A_201 = arith.constant 0 : index
      %get3A_202 = arith.constant 0 : index
      %get3A_203 = arith.constant 232 : index
      %get3A_204 = vector.load %arg3[%get3A_201, %get3A_202, %get3A_203] : memref<1x8x768xf32, #tpu.memory_space<vmem>>, vector<1x8x128xf32>
      %get3A_205 = vector.shape_cast %get3A_204 : vector<1x8x128xf32> to vector<8x128xf32>
      %get3A_206 = arith.constant 0 : index
      %get3A_207 = arith.constant 0 : index
      %get3A_208 = arith.constant 224 : index
      %get3A_209 = vector.load %arg3[%get3A_206, %get3A_207, %get3A_208] : memref<1x8x768xf32, #tpu.memory_space<vmem>>, vector<1x8x128xf32>
      %get3A_210 = vector.shape_cast %get3A_209 : vector<1x8x128xf32> to vector<8x128xf32>
      %get3A_211 = arith.constant 0 : index
      %get3A_212 = arith.constant 0 : index
      %get3A_213 = arith.constant 216 : index
      %get3A_214 = vector.load %arg3[%get3A_211, %get3A_212, %get3A_213] : memref<1x8x768xf32, #tpu.memory_space<vmem>>, vector<1x8x128xf32>
      %get3A_215 = vector.shape_cast %get3A_214 : vector<1x8x128xf32> to vector<8x128xf32>
      %get3A_216 = arith.constant 0 : index
      %get3A_217 = arith.constant 0 : index
      %get3A_218 = arith.constant 208 : index
      %get3A_219 = vector.load %arg3[%get3A_216, %get3A_217, %get3A_218] : memref<1x8x768xf32, #tpu.memory_space<vmem>>, vector<1x8x128xf32>
      %get3A_220 = vector.shape_cast %get3A_219 : vector<1x8x128xf32> to vector<8x128xf32>
      %get3A_221 = arith.constant 0 : index
      %get3A_222 = arith.constant 0 : index
      %get3A_223 = arith.constant 200 : index
      %get3A_224 = vector.load %arg3[%get3A_221, %get3A_222, %get3A_223] : memref<1x8x768xf32, #tpu.memory_space<vmem>>, vector<1x8x128xf32>
      %get3A_225 = vector.shape_cast %get3A_224 : vector<1x8x128xf32> to vector<8x128xf32>
      %get3A_226 = arith.constant 0 : index
      %get3A_227 = arith.constant 0 : index
      %get3A_228 = arith.constant 192 : index
      %get3A_229 = vector.load %arg3[%get3A_226, %get3A_227, %get3A_228] : memref<1x8x768xf32, #tpu.memory_space<vmem>>, vector<1x8x128xf32>
      %get3A_230 = vector.shape_cast %get3A_229 : vector<1x8x128xf32> to vector<8x128xf32>
      %get3A_231 = arith.constant 0 : index
      %get3A_232 = arith.constant 0 : index
      %get3A_233 = arith.constant 184 : index
      %get3A_234 = vector.load %arg3[%get3A_231, %get3A_232, %get3A_233] : memref<1x8x768xf32, #tpu.memory_space<vmem>>, vector<1x8x128xf32>
      %get3A_235 = vector.shape_cast %get3A_234 : vector<1x8x128xf32> to vector<8x128xf32>
      %get3A_236 = arith.constant 0 : index
      %get3A_237 = arith.constant 0 : index
      %get3A_238 = arith.constant 176 : index
      %get3A_239 = vector.load %arg3[%get3A_236, %get3A_237, %get3A_238] : memref<1x8x768xf32, #tpu.memory_space<vmem>>, vector<1x8x128xf32>
      %get3A_240 = vector.shape_cast %get3A_239 : vector<1x8x128xf32> to vector<8x128xf32>
      %get3A_241 = arith.constant 0 : index
      %get3A_242 = arith.constant 0 : index
      %get3A_243 = arith.constant 168 : index
      %get3A_244 = vector.load %arg3[%get3A_241, %get3A_242, %get3A_243] : memref<1x8x768xf32, #tpu.memory_space<vmem>>, vector<1x8x128xf32>
      %get3A_245 = vector.shape_cast %get3A_244 : vector<1x8x128xf32> to vector<8x128xf32>
      %get3A_246 = arith.constant 0 : index
      %get3A_247 = arith.constant 0 : index
      %get3A_248 = arith.constant 160 : index
      %get3A_249 = vector.load %arg3[%get3A_246, %get3A_247, %get3A_248] : memref<1x8x768xf32, #tpu.memory_space<vmem>>, vector<1x8x128xf32>
      %get3A_250 = vector.shape_cast %get3A_249 : vector<1x8x128xf32> to vector<8x128xf32>
      %get3A_251 = arith.constant 0 : index
      %get3A_252 = arith.constant 0 : index
      %get3A_253 = arith.constant 152 : index
      %get3A_254 = vector.load %arg3[%get3A_251, %get3A_252, %get3A_253] : memref<1x8x768xf32, #tpu.memory_space<vmem>>, vector<1x8x128xf32>
      %get3A_255 = vector.shape_cast %get3A_254 : vector<1x8x128xf32> to vector<8x128xf32>
      %get3A_256 = arith.constant 0 : index
      %get3A_257 = arith.constant 0 : index
      %get3A_258 = arith.constant 144 : index
      %get3A_259 = vector.load %arg3[%get3A_256, %get3A_257, %get3A_258] : memref<1x8x768xf32, #tpu.memory_space<vmem>>, vector<1x8x128xf32>
      %get3A_260 = vector.shape_cast %get3A_259 : vector<1x8x128xf32> to vector<8x128xf32>
      %get3A_261 = arith.constant 0 : index
      %get3A_262 = arith.constant 0 : index
      %get3A_263 = arith.constant 136 : index
      %get3A_264 = vector.load %arg3[%get3A_261, %get3A_262, %get3A_263] : memref<1x8x768xf32, #tpu.memory_space<vmem>>, vector<1x8x128xf32>
      %get3A_265 = vector.shape_cast %get3A_264 : vector<1x8x128xf32> to vector<8x128xf32>
      %get3A_266 = arith.constant 0 : index
      %get3A_267 = arith.constant 0 : index
      %get3A_268 = arith.constant 128 : index
      %get3A_269 = vector.load %arg3[%get3A_266, %get3A_267, %get3A_268] : memref<1x8x768xf32, #tpu.memory_space<vmem>>, vector<1x8x128xf32>
      %get3A_270 = vector.shape_cast %get3A_269 : vector<1x8x128xf32> to vector<8x128xf32>
      %concatenate3A = tpu.concatenate %get3A_195, %get3A_200, %get3A_205, %get3A_210, %get3A_215, %get3A_220, %get3A_225, %get3A_230, %get3A_235, %get3A_240, %get3A_245, %get3A_250, %get3A_255, %get3A_260, %get3A_265, %get3A_270 in 0 : vector<8x128xf32>, vector<8x128xf32>, vector<8x128xf32>, vector<8x128xf32>, vector<8x128xf32>, vector<8x128xf32>, vector<8x128xf32>, vector<8x128xf32>, vector<8x128xf32>, vector<8x128xf32>, vector<8x128xf32>, vector<8x128xf32>, vector<8x128xf32>, vector<8x128xf32>, vector<8x128xf32>, vector<8x128xf32> -> vector<128x128xf32>
      %add3A_271 = arith.constant -1 : i32
      %add3A_272 = arith.addi %arg1, %add3A_271 : i32
      %mul3A = arith.constant 128 : i32
      %mul3A_273 = arith.muli %add3A_272, %mul3A : i32
      %swap3A_274 = arith.constant 0 : index
      %swap3A_275 = arith.constant 0 : index
      %swap3A_276 = arith.index_cast %mul3A_273 : i32 to index
      %swap3A_277 = vector.load %arg4[%swap3A_274, %swap3A_275, %swap3A_276] : memref<1x128x2048xf32, #tpu.memory_space<vmem>>, vector<1x128x128xf32>
      %swap3A_278 = vector.shape_cast %swap3A_277 : vector<1x128x128xf32> to vector<128x128xf32>
      %swap3A_279 = vector.shape_cast %concatenate3A : vector<128x128xf32> to vector<1x128x128xf32>
      tpu.vector_store %arg4[%swap3A_274, %swap3A_275, %swap3A_276], %swap3A_279 {strides = array<i32>} : memref<1x128x2048xf32, #tpu.memory_space<vmem>>, vector<1x128x128xf32>,
    } else {
    }
    %add3A_167 = arith.constant 0 : i32
    %add3A_168 = arith.addi %arg1, %add3A_167 : i32
    %ge3A_169 = arith.constant 0 : i32
    %ge3A_170 = arith.cmpi sge, %add3A_168, %ge3A_169 : i32
    %add3A_171 = arith.constant 0 : i32
    %add3A_172 = arith.addi %arg1, %add3A_171 : i32
    %le3A_173 = arith.constant 15 : i32
    %le3A_174 = arith.cmpi sle, %add3A_172, %le3A_173 : i32
    %and3A_175 = arith.andi %ge3A_170, %le3A_174 : i1
    %convert_element_type3A_176 = arith.extui %and3A_175 : i1 to i32
    %cond3A_177 = arith.constant 0 : i32
    %cond3A_178 = arith.cmpi ne, %convert_element_type3A_176, %cond3A_177 : i32
    scf.if %cond3A_178 {
      %get3A_191 = arith.constant 0 : index
      %get3A_192 = arith.constant 0 : index
      %get3A_193 = arith.constant 376 : index
      %get3A_194 = vector.load %arg3[%get3A_191, %get3A_192, %get3A_193] : memref<1x8x768xf32, #tpu.memory_space<vmem>>, vector<1x8x128xf32>
      %get3A_195 = vector.shape_cast %get3A_194 : vector<1x8x128xf32> to vector<8x128xf32>
      %get3A_196 = arith.constant 0 : index
      %get3A_197 = arith.constant 0 : index
      %get3A_198 = arith.constant 368 : index
      %get3A_199 = vector.load %arg3[%get3A_196, %get3A_197, %get3A_198] : memref<1x8x768xf32, #tpu.memory_space<vmem>>, vector<1x8x128xf32>
      %get3A_200 = vector.shape_cast %get3A_199 : vector<1x8x128xf32> to vector<8x128xf32>
      %get3A_201 = arith.constant 0 : index
      %get3A_202 = arith.constant 0 : index
      %get3A_203 = arith.constant 360 : index
      %get3A_204 = vector.load %arg3[%get3A_201, %get3A_202, %get3A_203] : memref<1x8x768xf32, #tpu.memory_space<vmem>>, vector<1x8x128xf32>
      %get3A_205 = vector.shape_cast %get3A_204 : vector<1x8x128xf32> to vector<8x128xf32>
      %get3A_206 = arith.constant 0 : index
      %get3A_207 = arith.constant 0 : index
      %get3A_208 = arith.constant 352 : index
      %get3A_209 = vector.load %arg3[%get3A_206, %get3A_207, %get3A_208] : memref<1x8x768xf32, #tpu.memory_space<vmem>>, vector<1x8x128xf32>
      %get3A_210 = vector.shape_cast %get3A_209 : vector<1x8x128xf32> to vector<8x128xf32>
      %get3A_211 = arith.constant 0 : index
      %get3A_212 = arith.constant 0 : index
      %get3A_213 = arith.constant 344 : index
      %get3A_214 = vector.load %arg3[%get3A_211, %get3A_212, %get3A_213] : memref<1x8x768xf32, #tpu.memory_space<vmem>>, vector<1x8x128xf32>
      %get3A_215 = vector.shape_cast %get3A_214 : vector<1x8x128xf32> to vector<8x128xf32>
      %get3A_216 = arith.constant 0 : index
      %get3A_217 = arith.constant 0 : index
      %get3A_218 = arith.constant 336 : index
      %get3A_219 = vector.load %arg3[%get3A_216, %get3A_217, %get3A_218] : memref<1x8x768xf32, #tpu.memory_space<vmem>>, vector<1x8x128xf32>
      %get3A_220 = vector.shape_cast %get3A_219 : vector<1x8x128xf32> to vector<8x128xf32>
      %get3A_221 = arith.constant 0 : index
      %get3A_222 = arith.constant 0 : index
      %get3A_223 = arith.constant 328 : index
      %get3A_224 = vector.load %arg3[%get3A_221, %get3A_222, %get3A_223] : memref<1x8x768xf32, #tpu.memory_space<vmem>>, vector<1x8x128xf32>
      %get3A_225 = vector.shape_cast %get3A_224 : vector<1x8x128xf32> to vector<8x128xf32>
      %get3A_226 = arith.constant 0 : index
      %get3A_227 = arith.constant 0 : index
      %get3A_228 = arith.constant 320 : index
      %get3A_229 = vector.load %arg3[%get3A_226, %get3A_227, %get3A_228] : memref<1x8x768xf32, #tpu.memory_space<vmem>>, vector<1x8x128xf32>
      %get3A_230 = vector.shape_cast %get3A_229 : vector<1x8x128xf32> to vector<8x128xf32>
      %get3A_231 = arith.constant 0 : index
      %get3A_232 = arith.constant 0 : index
      %get3A_233 = arith.constant 312 : index
      %get3A_234 = vector.load %arg3[%get3A_231, %get3A_232, %get3A_233] : memref<1x8x768xf32, #tpu.memory_space<vmem>>, vector<1x8x128xf32>
      %get3A_235 = vector.shape_cast %get3A_234 : vector<1x8x128xf32> to vector<8x128xf32>
      %get3A_236 = arith.constant 0 : index
      %get3A_237 = arith.constant 0 : index
      %get3A_238 = arith.constant 304 : index
      %get3A_239 = vector.load %arg3[%get3A_236, %get3A_237, %get3A_238] : memref<1x8x768xf32, #tpu.memory_space<vmem>>, vector<1x8x128xf32>
      %get3A_240 = vector.shape_cast %get3A_239 : vector<1x8x128xf32> to vector<8x128xf32>
      %get3A_241 = arith.constant 0 : index
      %get3A_242 = arith.constant 0 : index
      %get3A_243 = arith.constant 296 : index
      %get3A_244 = vector.load %arg3[%get3A_241, %get3A_242, %get3A_243] : memref<1x8x768xf32, #tpu.memory_space<vmem>>, vector<1x8x128xf32>
      %get3A_245 = vector.shape_cast %get3A_244 : vector<1x8x128xf32> to vector<8x128xf32>
      %get3A_246 = arith.constant 0 : index
      %get3A_247 = arith.constant 0 : index
      %get3A_248 = arith.constant 288 : index
      %get3A_249 = vector.load %arg3[%get3A_246, %get3A_247, %get3A_248] : memref<1x8x768xf32, #tpu.memory_space<vmem>>, vector<1x8x128xf32>
      %get3A_250 = vector.shape_cast %get3A_249 : vector<1x8x128xf32> to vector<8x128xf32>
      %get3A_251 = arith.constant 0 : index
      %get3A_252 = arith.constant 0 : index
      %get3A_253 = arith.constant 280 : index
      %get3A_254 = vector.load %arg3[%get3A_251, %get3A_252, %get3A_253] : memref<1x8x768xf32, #tpu.memory_space<vmem>>, vector<1x8x128xf32>
      %get3A_255 = vector.shape_cast %get3A_254 : vector<1x8x128xf32> to vector<8x128xf32>
      %get3A_256 = arith.constant 0 : index
      %get3A_257 = arith.constant 0 : index
      %get3A_258 = arith.constant 272 : index
      %get3A_259 = vector.load %arg3[%get3A_256, %get3A_257, %get3A_258] : memref<1x8x768xf32, #tpu.memory_space<vmem>>, vector<1x8x128xf32>
      %get3A_260 = vector.shape_cast %get3A_259 : vector<1x8x128xf32> to vector<8x128xf32>
      %get3A_261 = arith.constant 0 : index
      %get3A_262 = arith.constant 0 : index
      %get3A_263 = arith.constant 264 : index
      %get3A_264 = vector.load %arg3[%get3A_261, %get3A_262, %get3A_263] : memref<1x8x768xf32, #tpu.memory_space<vmem>>, vector<1x8x128xf32>
      %get3A_265 = vector.shape_cast %get3A_264 : vector<1x8x128xf32> to vector<8x128xf32>
      %get3A_266 = arith.constant 0 : index
      %get3A_267 = arith.constant 0 : index
      %get3A_268 = arith.constant 256 : index
      %get3A_269 = vector.load %arg3[%get3A_266, %get3A_267, %get3A_268] : memref<1x8x768xf32, #tpu.memory_space<vmem>>, vector<1x8x128xf32>
      %get3A_270 = vector.shape_cast %get3A_269 : vector<1x8x128xf32> to vector<8x128xf32>
      %concatenate3A = tpu.concatenate %get3A_195, %get3A_200, %get3A_205, %get3A_210, %get3A_215, %get3A_220, %get3A_225, %get3A_230, %get3A_235, %get3A_240, %get3A_245, %get3A_250, %get3A_255, %get3A_260, %get3A_265, %get3A_270 in 0 : vector<8x128xf32>, vector<8x128xf32>, vector<8x128xf32>, vector<8x128xf32>, vector<8x128xf32>, vector<8x128xf32>, vector<8x128xf32>, vector<8x128xf32>, vector<8x128xf32>, vector<8x128xf32>, vector<8x128xf32>, vector<8x128xf32>, vector<8x128xf32>, vector<8x128xf32>, vector<8x128xf32>, vector<8x128xf32> -> vector<128x128xf32>
      %add3A_271 = arith.constant 0 : i32
      %add3A_272 = arith.addi %arg1, %add3A_271 : i32
      %mul3A = arith.constant 128 : i32
      %mul3A_273 = arith.muli %add3A_272, %mul3A : i32
      %swap3A_274 = arith.constant 0 : index
      %swap3A_275 = arith.constant 0 : index
      %swap3A_276 = arith.index_cast %mul3A_273 : i32 to index
      %swap3A_277 = vector.load %arg4[%swap3A_274, %swap3A_275, %swap3A_276] : memref<1x128x2048xf32, #tpu.memory_space<vmem>>, vector<1x128x128xf32>
      %swap3A_278 = vector.shape_cast %swap3A_277 : vector<1x128x128xf32> to vector<128x128xf32>
      %swap3A_279 = vector.shape_cast %concatenate3A : vector<128x128xf32> to vector<1x128x128xf32>
      tpu.vector_store %arg4[%swap3A_274, %swap3A_275, %swap3A_276], %swap3A_279 {strides = array<i32>} : memref<1x128x2048xf32, #tpu.memory_space<vmem>>, vector<1x128x128xf32>,
    } else {
    }
    %add3A_179 = arith.constant 1 : i32
    %add3A_180 = arith.addi %arg1, %add3A_179 : i32
    %ge3A_181 = arith.constant 0 : i32
    %ge3A_182 = arith.cmpi sge, %add3A_180, %ge3A_181 : i32
    %add3A_183 = arith.constant 1 : i32
    %add3A_184 = arith.addi %arg1, %add3A_183 : i32
    %le3A_185 = arith.constant 15 : i32
    %le3A_186 = arith.cmpi sle, %add3A_184, %le3A_185 : i32
    %and3A_187 = arith.andi %ge3A_182, %le3A_186 : i1
    %convert_element_type3A_188 = arith.extui %and3A_187 : i1 to i32
    %cond3A_189 = arith.constant 0 : i32
    %cond3A_190 = arith.cmpi ne, %convert_element_type3A_188, %cond3A_189 : i32
    scf.if %cond3A_190 {
      %get3A_191 = arith.constant 0 : index
      %get3A_192 = arith.constant 0 : index
      %get3A_193 = arith.constant 504 : index
      %get3A_194 = vector.load %arg3[%get3A_191, %get3A_192, %get3A_193] : memref<1x8x768xf32, #tpu.memory_space<vmem>>, vector<1x8x128xf32>
      %get3A_195 = vector.shape_cast %get3A_194 : vector<1x8x128xf32> to vector<8x128xf32>
      %get3A_196 = arith.constant 0 : index
      %get3A_197 = arith.constant 0 : index
      %get3A_198 = arith.constant 496 : index
      %get3A_199 = vector.load %arg3[%get3A_196, %get3A_197, %get3A_198] : memref<1x8x768xf32, #tpu.memory_space<vmem>>, vector<1x8x128xf32>
      %get3A_200 = vector.shape_cast %get3A_199 : vector<1x8x128xf32> to vector<8x128xf32>
      %get3A_201 = arith.constant 0 : index
      %get3A_202 = arith.constant 0 : index
      %get3A_203 = arith.constant 488 : index
      %get3A_204 = vector.load %arg3[%get3A_201, %get3A_202, %get3A_203] : memref<1x8x768xf32, #tpu.memory_space<vmem>>, vector<1x8x128xf32>
      %get3A_205 = vector.shape_cast %get3A_204 : vector<1x8x128xf32> to vector<8x128xf32>
      %get3A_206 = arith.constant 0 : index
      %get3A_207 = arith.constant 0 : index
      %get3A_208 = arith.constant 480 : index
      %get3A_209 = vector.load %arg3[%get3A_206, %get3A_207, %get3A_208] : memref<1x8x768xf32, #tpu.memory_space<vmem>>, vector<1x8x128xf32>
      %get3A_210 = vector.shape_cast %get3A_209 : vector<1x8x128xf32> to vector<8x128xf32>
      %get3A_211 = arith.constant 0 : index
      %get3A_212 = arith.constant 0 : index
      %get3A_213 = arith.constant 472 : index
      %get3A_214 = vector.load %arg3[%get3A_211, %get3A_212, %get3A_213] : memref<1x8x768xf32, #tpu.memory_space<vmem>>, vector<1x8x128xf32>
      %get3A_215 = vector.shape_cast %get3A_214 : vector<1x8x128xf32> to vector<8x128xf32>
      %get3A_216 = arith.constant 0 : index
      %get3A_217 = arith.constant 0 : index
      %get3A_218 = arith.constant 464 : index
      %get3A_219 = vector.load %arg3[%get3A_216, %get3A_217, %get3A_218] : memref<1x8x768xf32, #tpu.memory_space<vmem>>, vector<1x8x128xf32>
      %get3A_220 = vector.shape_cast %get3A_219 : vector<1x8x128xf32> to vector<8x128xf32>
      %get3A_221 = arith.constant 0 : index
      %get3A_222 = arith.constant 0 : index
      %get3A_223 = arith.constant 456 : index
      %get3A_224 = vector.load %arg3[%get3A_221, %get3A_222, %get3A_223] : memref<1x8x768xf32, #tpu.memory_space<vmem>>, vector<1x8x128xf32>
      %get3A_225 = vector.shape_cast %get3A_224 : vector<1x8x128xf32> to vector<8x128xf32>
      %get3A_226 = arith.constant 0 : index
      %get3A_227 = arith.constant 0 : index
      %get3A_228 = arith.constant 448 : index
      %get3A_229 = vector.load %arg3[%get3A_226, %get3A_227, %get3A_228] : memref<1x8x768xf32, #tpu.memory_space<vmem>>, vector<1x8x128xf32>
      %get3A_230 = vector.shape_cast %get3A_229 : vector<1x8x128xf32> to vector<8x128xf32>
      %get3A_231 = arith.constant 0 : index
      %get3A_232 = arith.constant 0 : index
      %get3A_233 = arith.constant 440 : index
      %get3A_234 = vector.load %arg3[%get3A_231, %get3A_232, %get3A_233] : memref<1x8x768xf32, #tpu.memory_space<vmem>>, vector<1x8x128xf32>
      %get3A_235 = vector.shape_cast %get3A_234 : vector<1x8x128xf32> to vector<8x128xf32>
      %get3A_236 = arith.constant 0 : index
      %get3A_237 = arith.constant 0 : index
      %get3A_238 = arith.constant 432 : index
      %get3A_239 = vector.load %arg3[%get3A_236, %get3A_237, %get3A_238] : memref<1x8x768xf32, #tpu.memory_space<vmem>>, vector<1x8x128xf32>
      %get3A_240 = vector.shape_cast %get3A_239 : vector<1x8x128xf32> to vector<8x128xf32>
      %get3A_241 = arith.constant 0 : index
      %get3A_242 = arith.constant 0 : index
      %get3A_243 = arith.constant 424 : index
      %get3A_244 = vector.load %arg3[%get3A_241, %get3A_242, %get3A_243] : memref<1x8x768xf32, #tpu.memory_space<vmem>>, vector<1x8x128xf32>
      %get3A_245 = vector.shape_cast %get3A_244 : vector<1x8x128xf32> to vector<8x128xf32>
      %get3A_246 = arith.constant 0 : index
      %get3A_247 = arith.constant 0 : index
      %get3A_248 = arith.constant 416 : index
      %get3A_249 = vector.load %arg3[%get3A_246, %get3A_247, %get3A_248] : memref<1x8x768xf32, #tpu.memory_space<vmem>>, vector<1x8x128xf32>
      %get3A_250 = vector.shape_cast %get3A_249 : vector<1x8x128xf32> to vector<8x128xf32>
      %get3A_251 = arith.constant 0 : index
      %get3A_252 = arith.constant 0 : index
      %get3A_253 = arith.constant 408 : index
      %get3A_254 = vector.load %arg3[%get3A_251, %get3A_252, %get3A_253] : memref<1x8x768xf32, #tpu.memory_space<vmem>>, vector<1x8x128xf32>
      %get3A_255 = vector.shape_cast %get3A_254 : vector<1x8x128xf32> to vector<8x128xf32>
      %get3A_256 = arith.constant 0 : index
      %get3A_257 = arith.constant 0 : index
      %get3A_258 = arith.constant 400 : index
      %get3A_259 = vector.load %arg3[%get3A_256, %get3A_257, %get3A_258] : memref<1x8x768xf32, #tpu.memory_space<vmem>>, vector<1x8x128xf32>
      %get3A_260 = vector.shape_cast %get3A_259 : vector<1x8x128xf32> to vector<8x128xf32>
      %get3A_261 = arith.constant 0 : index
      %get3A_262 = arith.constant 0 : index
      %get3A_263 = arith.constant 392 : index
      %get3A_264 = vector.load %arg3[%get3A_261, %get3A_262, %get3A_263] : memref<1x8x768xf32, #tpu.memory_space<vmem>>, vector<1x8x128xf32>
      %get3A_265 = vector.shape_cast %get3A_264 : vector<1x8x128xf32> to vector<8x128xf32>
      %get3A_266 = arith.constant 0 : index
      %get3A_267 = arith.constant 0 : index
      %get3A_268 = arith.constant 384 : index
      %get3A_269 = vector.load %arg3[%get3A_266, %get3A_267, %get3A_268] : memref<1x8x768xf32, #tpu.memory_space<vmem>>, vector<1x8x128xf32>
      %get3A_270 = vector.shape_cast %get3A_269 : vector<1x8x128xf32> to vector<8x128xf32>
      %concatenate3A = tpu.concatenate %get3A_195, %get3A_200, %get3A_205, %get3A_210, %get3A_215, %get3A_220, %get3A_225, %get3A_230, %get3A_235, %get3A_240, %get3A_245, %get3A_250, %get3A_255, %get3A_260, %get3A_265, %get3A_270 in 0 : vector<8x128xf32>, vector<8x128xf32>, vector<8x128xf32>, vector<8x128xf32>, vector<8x128xf32>, vector<8x128xf32>, vector<8x128xf32>, vector<8x128xf32>, vector<8x128xf32>, vector<8x128xf32>, vector<8x128xf32>, vector<8x128xf32>, vector<8x128xf32>, vector<8x128xf32>, vector<8x128xf32>, vector<8x128xf32> -> vector<128x128xf32>
      %add3A_271 = arith.constant 1 : i32
      %add3A_272 = arith.addi %arg1, %add3A_271 : i32
      %mul3A = arith.constant 128 : i32
      %mul3A_273 = arith.muli %add3A_272, %mul3A : i32
      %swap3A_274 = arith.constant 0 : index
      %swap3A_275 = arith.constant 0 : index
      %swap3A_276 = arith.index_cast %mul3A_273 : i32 to index
      %swap3A_277 = vector.load %arg4[%swap3A_274, %swap3A_275, %swap3A_276] : memref<1x128x2048xf32, #tpu.memory_space<vmem>>, vector<1x128x128xf32>
      %swap3A_278 = vector.shape_cast %swap3A_277 : vector<1x128x128xf32> to vector<128x128xf32>
      %swap3A_279 = vector.shape_cast %concatenate3A : vector<128x128xf32> to vector<1x128x128xf32>
      tpu.vector_store %arg4[%swap3A_274, %swap3A_275, %swap3A_276], %swap3A_279 {strides = array<i32>} : memref<1x128x2048xf32, #tpu.memory_space<vmem>>, vector<1x128x128xf32>,
    } else {
    }
    return
  }
  func.func @transform_0(%arg0: i32, %arg1: i32) -> (i32, i32) {
    %c0_i32 = arith.constant 0 : i32
    %c0_i32_0 = arith.constant 0 : i32
    %c0_i32_1 = arith.constant 0 : i32
    return %c0_i32, %c0_i32_0 : i32, i32
  }
  func.func @transform_1(%arg0: i32, %arg1: i32) -> (i32, i32, i32) {
    %c0_i32 = arith.constant 0 : i32
    %c0_i32_0 = arith.constant 0 : i32
    %c0_i32_1 = arith.constant 0 : i32
    return %arg0, %c0_i32, %c0_i32_0 : i32, i32, i32
  }
  func.func @transform_2(%arg0: i32, %arg1: i32) -> (i32, i32, i32) {
    %c0_i32 = arith.constant 0 : i32
    %c0_i32_0 = arith.constant 0 : i32
    return %arg0, %arg1, %c0_i32 : i32, i32, i32
  }
}

</mosaic_0001>

<sc_bundles>
// kernel: kernel.4.cloned.1.call-start
scs
__scs_entry_jumppad:
0x0: {  	(pc) =	sbr.rel $0x88, $3  }
0x1: {  	(tag) =	ssettag $0x0;
	lr =	simm.s32 $0x1  }
0x2: {  	[smem:$0x3FA0] =	sst lr;
	_ =	strace $0xD0000000  }
0x3: {  	_ = 	snop  }
0x4: {  	_ = 	snop  }
0x5: {  	_ = 	snop  }
0x6: {  	_ = 	snop  }
0x7: {  	_ = 	snop  }
__scs_overlays_trampoline_lowered:
0x8: {  	[smem:$0x3FAF] =	sst s0  }
0x9: {  	[smem:$0x3FB0] =	sst s1  }
0xa: {  	[smem:$0x3FB1] =	sst s2  }
0xb: {  	[smem:$0x3FB2] =	sst s3  }
0xc: {  	[smem:$0x3FB3] =	sst s4  }
0xd: {  	[smem:$0x3FB4] =	sst s5  }
0xe: {  	[smem:$0x3FB5] =	sst s6  }
0xf: {  	[smem:$0x3FB6] =	sst s7  }
0x10: {  	[smem:$0x3FB7] =	sst s8  }
0x11: {  	[smem:$0x3FB8] =	sst s9;
	s0 =	simm.s32 @!p0 $0x0  }
0x12: {  	s1 =	sld [smem:$0x3F9E];
	s0 =	simm.s32 @p0 $0x1  }
0x13: {  	[smem:$0x3FB9] =	sst s0;
	s0 =	simm.s32 @!p1 $0x0  }
0x14: {  	s2 =	sld [smem:$0x3F9D];
	s0 =	simm.s32 @p1 $0x1  }
0x15: {  	[smem:$0x3FBA] =	sst s0;
	s0 =	simm.s32 @!p2 $0x0  }
0x16: {  	s3 =	sld [smem:$0x3FDB];
	s0 =	simm.s32 @p2 $0x1  }
0x17: {  	s4 =	simm.s32 $0x1BF5;
	[smem:$0x3FBC] =	sst s0  }
0x18: {  	s0 =	sld [smem:$0x3F9F];
	_ =	swait.ge [sflag:s4], $0x0  }
0x19: {  	s7 =	sld [smem:$0x3FA0]  }
0x1a: {  	s8 =	sadd.s32 $0xFFFFE003, lr  }
0x1b: {  	s9 =	sadd.s32 $0xFFFFFEF7, lr;
	s5 =	simm.s32 $0xFFFFFFFF;
	p2 =	slt.u32 s8, $0xFFFFF086  }
0x1c: {  	p1 =	slt.u32 s9, $0xF7A;
	s5 =	simm.s32 @!p2 $0x0  }
0x1d: {  	s5 =	simm.s32 @p1 $0x1;
	p0 =	seq.s32 s7, s2  }
0x1e: {  	s7 =	smul.u32 @!p0 $0xF7A, s2;
	p2 =	seq.s32 @!p0 s5, $0x0  }
0x1f: {  	s9 =	smul.u32 $0xF7A, s1;
	s8 =	simm.s32 @!p0 $0x1BF5;
	p2 =	por !p2, p0  }
0x20: {  	[sflag:s8] =	ssyncset.s32 @!p0 $0xFFFFF086;
	s6 =	sadd.s32 @!p0 s3, s7;
	s7 =	simm.s32 @!p0 $0x108  }
0x21: {  	s3 =	sadd.s32 s3, s9;
	s6 =	sadd.s32 @!p0 $0x88, s6;
	s7 =	simm.s32 @p2 $0x1082  }
0x22: {  	[simem:s7], [sflag:s8] =	dma.local @!p0 [hbm:s6], $0xF7A  }
0x23: {  	s9 =	sor.u32 $0xD0000000, s2;
	s6 =	simm.s32 $0x108;
	_ =	swait.ge @!p0 [sflag:s8], $0x0  }
0x24: {  	s3 =	sadd.s32 $0x88, s3;
	s6 =	simm.s32 @!p1 $0x1082;
	[sflag:s4] =	ssyncset.s32 $0xFFFFF086  }
0x25: {  	[simem:s6], [sflag:s4] =	dma.local [hbm:s3], $0xF7A  }
0x26: {  	[smem:$0x3FA0] =	sst s1;
	(tag) =	ssettag s2;
	_ =	strace s9  }
0x27: {  	s1 =	sld [smem:$0x3FB0]  }
0x28: {  	s2 =	sld [smem:$0x3FB1]  }
0x29: {  	s4 =	sld [smem:$0x3FB3]  }
0x2a: {  	p0 =	seq.s32 s5, $0x0;
	s5 =	sld [smem:$0x3FB4]  }
0x2b: {  	s6 =	sld [smem:$0x3FB5]  }
0x2c: {  	s7 =	sld [smem:$0x3FB6]  }
0x2d: {  	s3 =	simm.s32 $0x108;
	s8 =	sld [smem:$0x3FB7]  }
0x2e: {  	s3 =	simm.s32 @!p0 $0x1082;
	s9 =	sld [smem:$0x3FB8]  }
0x2f: {  	lr =	sadd.s32 s0, s3;
	s0 =	sld [smem:$0x3FAF]  }
0x30: {  	s3 =	sld [smem:$0x3FB2]  }
0x31: {  	[smem:$0x3FBB] =	sst s10  }
0x32: {  	s10 =	sld [smem:$0x3FB9];
	_ =	sdelay $0x3  }
0x33: {  	p0 =	seq.s32 s10, $0x1;
	s10 =	sld [smem:$0x3FBB];
	_ =	sdelay $0x3  }
0x34: {  	[smem:$0x3FBB] =	sst s10  }
0x35: {  	s10 =	sld [smem:$0x3FBA];
	_ =	sdelay $0x3  }
0x36: {  	p1 =	seq.s32 s10, $0x1;
	s10 =	sld [smem:$0x3FBB];
	_ =	sdelay $0x3  }
0x37: {  	[smem:$0x3FBB] =	sst s10  }
0x38: {  	s10 =	sld [smem:$0x3FBC]  }
0x39: {  	_ = 	snop;
	(pc) =	sbr.ind lr, $3  }
0x3a: {  	_ = 	snop  }
0x3b: {  	_ = 	snop  }
0x3c: {  	p2 =	seq.s32 s10, $0x1;
	s10 =	sld [smem:$0x3FBB]  }
0x3d: {  	_ =	shalt  }
0x3e: {  	_ =	shalt  }
0x3f: {  	_ =	shalt  }
0x40: {  	_ =	shalt  }
0x41: {  	_ =	shalt  }
0x42: {  	_ =	shalt  }
0x43: {  	_ =	shalt  }
0x44: {  	_ =	shalt  }
0x45: {  	_ =	shalt  }
0x46: {  	_ =	shalt  }
0x47: {  	_ =	shalt  }
0x48: {  	_ =	shalt  }
0x49: {  	_ =	shalt  }
0x4a: {  	_ =	shalt  }
0x4b: {  	_ =	shalt  }
0x4c: {  	_ =	shalt  }
0x4d: {  	_ =	shalt  }
0x4e: {  	_ =	shalt  }
0x4f: {  	_ =	shalt  }
0x50: {  	_ =	shalt  }
0x51: {  	_ =	shalt  }
0x52: {  	_ =	shalt  }
0x53: {  	_ =	shalt  }
0x54: {  	_ =	shalt  }
0x55: {  	_ =	shalt  }
0x56: {  	_ =	shalt  }
0x57: {  	_ =	shalt  }
0x58: {  	_ =	shalt  }
0x59: {  	_ =	shalt  }
0x5a: {  	_ =	shalt  }
0x5b: {  	_ =	shalt  }
0x5c: {  	_ =	shalt  }
0x5d: {  	_ =	shalt  }
0x5e: {  	_ =	shalt  }
0x5f: {  	_ =	shalt  }
0x60: {  	_ =	shalt  }
0x61: {  	_ =	shalt  }
0x62: {  	_ =	shalt  }
0x63: {  	_ =	shalt  }
0x64: {  	_ =	shalt  }
0x65: {  	_ =	shalt  }
0x66: {  	_ =	shalt  }
0x67: {  	_ =	shalt  }
0x68: {  	_ =	shalt  }
0x69: {  	_ =	shalt  }
0x6a: {  	_ =	shalt  }
0x6b: {  	_ =	shalt  }
0x6c: {  	_ =	shalt  }
0x6d: {  	_ =	shalt  }
0x6e: {  	_ =	shalt  }
0x6f: {  	_ =	shalt  }
0x70: {  	_ =	shalt  }
0x71: {  	_ =	shalt  }
0x72: {  	_ =	shalt  }
0x73: {  	_ =	shalt  }
0x74: {  	_ =	shalt  }
0x75: {  	_ =	shalt  }
0x76: {  	_ =	shalt  }
0x77: {  	_ =	shalt  }
0x78: {  	_ =	shalt  }
0x79: {  	_ =	shalt  }
0x7a: {  	_ =	shalt  }
0x7b: {  	_ =	shalt  }
0x7c: {  	_ =	shalt  }
0x7d: {  	_ =	shalt  }
0x7e: {  	_ =	shalt  }
0x7f: {  	_ =	shalt  }
0x80: {  	_ =	shalt  }
0x81: {  	_ =	shalt  }
0x82: {  	_ =	shalt  }
0x83: {  	_ =	shalt  }
0x84: {  	_ =	shalt  }
0x85: {  	_ =	shalt  }
0x86: {  	_ =	shalt  }
0x87: {  	_ =	shalt  }
.Lfunc_end0:
.L_simem_size_0:
called_computation_lowered:
.L_overlay_start_0:
0x88: {  	s2 =	sld [smem:$0x3FD9]  }
0x89: {  	s3 =	sld [smem:$0x3FFE];
	_ =	sdelay $0x1  }
0x8a: {  	s1 =	srdreg.scid  }
0x8b: {  	s0 =	sand.u32 $0x1, s1  }
0x8c: {  	s17 =	sshll.u32 s0, $0xA;
	s2 =	sadd.s32 s3, s2  }
0x8d: {  	s2 =	sadd.s32 s2, s17  }
0x8e: {  	[smem:$0x3FC7] =	sst s2  }
0x8f: {  	_ = 	snop  }
0x90: {  	s2 =	sld [smem:$0x3FD0];
	(tm) =	ssettm $0x1  }
0x91: {  	s18 =	sld [smem:$0x3FFB];
	_ =	sdelay $0x3  }
0x92: {  	_ =	strace s18  }
0x93: {  	s3 =	sld [smem:$0x3FFC];
	_ =	sdelay $0x3  }
0x94: {  	_ =	strace s3  }
0x95: {  	s3 =	sld [smem:$0x3FFD];
	_ =	sdelay $0x3  }
0x96: {  	_ =	strace s3  }
0x97: {  	_ =	strace $0x8FFFFFFF  }
0x98: {  	s19 =	sld [smem:$0x3FDB];
	_ =	sdelay $0x1  }
0x99: {  	s4 =	simm.s32 $_scs_section_size  }
0x9a: {  	s5 =	simm.s32 $_size__tile_overlayer_lowered;
	s6 =	simm.s32 $_tile_overlayer_lowered  }
0x9b: {  	s22 =	simm.s32 $0x1BFF;
	s21 =	sshll.u32 s6, $0x1;
	s3 =	sadd.s32 s4, s19  }
0x9c: {  	s7 =	simm.s32 $0x0;
	s20 =	sshll.u32 s5, $0x1;
	s5 =	sadd.s32 s21, s3  }
0x9d: {  	[timem:s7], [sflag:s22] =	dma.local [hbm:s5], s20  }
0x9e: {  	_ =	swait.ge [sflag:s22], s20  }
0x9f: {  	s4 =	ssub.s32 $0x0, s20;
	[sflag:s22] =	ssyncset.done $0x0  }
0xa0: {  	[sflag:s22] =	ssyncadd.s32 s4;
	_ =	sdelay $0x1  }
0xa1: {  	s23 =	simm.s32 $0x1B8B  }
0xa2: {  	_ =	swait.ge [sflag:s23], $0x1  }
0xa3: {  	[sflag:s23] =	ssyncset.done $0x0  }
0xa4: {  	s25 =	simm.s32 $0x1B8E;
	s24 =	sld [smem:$0x3FFE];
	[sflag:s23] =	ssyncadd.s32 $0xFFFFFFFF  }
0xa5: {  	s26 =	simm.s32 $execute0_lowered;
	[smem:$0x3FD2] =	sst s25  }
0xa6: {  	s5 =	sshll.u32 s26, $0x1;
	_ =	strace $0x80000046;
	[dreg:$0x1] =	wrdreg $0xFFFFFFFF  }
0xa7: {  	s28 =	simm.s32 $_size_execute0_lowered;
	s3 =	sadd.s32 s3, s5;
	[dreg:$0x0] =	wrdreg $0x0  }
0xa8: {  	s5 =	sshll.u32 s28, $0x1;
	[dreg:$0x2] =	wrdreg s3  }
0xa9: {  	[dreg:$0x3] =	wrdreg s5  }
0xaa: {  	[dreg:$0x4] =	wrdreg $0xC0  }
0xab: {  	_ =	task [dreg:s7], $0x5FFFF  }
0xac: {  	[dreg:$0x1] =	wrdreg $0xFFFFFFFF  }
0xad: {  	[dreg:$0x0] =	wrdreg $0x60  }
0xae: {  	[dreg:$0x2] =	wrdreg s24  }
0xaf: {  	[dreg:$0x3] =	wrdreg s2  }
0xb0: {  	[dreg:$0x4] =	wrdreg $0x9  }
0xb1: {  	_ =	task.clear_ibuf [dreg:s7], $0x5FFFF;
	_ =	strace $0x90000046  }
0xb2: {  	s29 =	simm.s32 $0x9;
	_ =	strace $0x80000048  }
0xb3: {  	_ =	swait.ge [sflag:s29], $0x1  }
0xb4: {  	[sflag:s29] =	ssyncadd.s32 $0xFFFFFFFF  }
0xb5: {  	_ =	strace $0x90000048  }
0xb6: {  	_ =	sfence  }
0xb7: {  	s30 =	sld [smem:$0x0];
	_ =	sdelay $0x2  }
0xb8: {  	s31 =	sshll.u32 s1, $0xD;
	s1 =	sshrl.u32 s1, $0x2  }
0xb9: {  	s3 =	sand.u32 $0x4000, s31;
	s1 =	sadd.s32 s1, s30  }
0xba: {  	s0 =	sor.u32 s3, s0;
	s1 =	sshll.u32 s1, $0x11  }
0xbb: {  	s0 =	sor.u32 s1, s0  }
0xbc: {  	s0 =	sadd.s32 $0x8F2B, s0  }
0xbd: {  	[sflag:s0] =	ssyncadd.remote.s32 $0x1  }
0xbe: {  	_ =	sfence.sel $0xFFFF  }
0xbf: {  	[dreg:$0x0] =	wrdreg $0xFFFFFFFF;
	(pc) =	sbr.abs _section_cstart, $3  }
0xc0: {  	[dreg:$0x1] =	wrdreg $0xFFFFFFFF  }
0xc1: {  	_ =	task.clear_ibuf [dreg:s7], $0x2FFFF;
	_ =	strace $0x9FFFFFFF  }
0xc2: {  	(tm) =	ssettm $0x7FFFFFFF  }
0xc3: {  	_ =	shalt  }
tec
execute0_lowered:
.L_overlay_start_1:
0x0: {  	(tag) =	ssettag $0x1  }
0x1: {  	s0 =	stileid.u32;
	s3 =	rddreg [dreg:$0x0]  }
0x2: {  	s1 =	srdreg.scid;
	s6 =	rddreg [dreg:$0x1]  }
0x3: {  	s2 =	sshll.u32 s0, $0x1;
	s4 =	sand.u32 $0x1, s1;
	s5 =	sshrl.u32 s0, $0x2  }
0x4: {  	s1 =	rddreg [dreg:$0x2];
	s3 =	sadd.s32 $0x400, s3;
	s26 =	sand.u32 $0x6, s2  }
0x5: {  	s7 =	smul.u32 $0x1800, s5;
	s10 =	sor.u32 $0x4, s5;
	s12 =	sor.u32 $0x8, s5  }
0x6: {  	s2 =	simm.s32 $0x0;
	s8 =	sor.u32 s4, s26;
	s11 =	smul.u32 $0x1800, s10  }
0x7: {  	s4 =	ssub.s32 $0x2, s4;
	s14 =	smul.u32 $0x1800, s12;
	[smem:$0x7FF] =	sst s2  }
0x8: {  	v1 =	vmov s10;
	s10 =	simm.s32 $0x200;
	s9 =	smul.u32 $0x300, s8;
	s13 =	sshrl.u32 s4, $0x1  }
0x9: {  	_ =	strace $0x80000047;
	s8 =	sxor.u32 $0x687, s8;
	s13 =	ssub.s32 s4, s13  }
0xa: {  	s28 =	sadd.s32 s7, s9;
	s29 =	sadd.s32 s11, s9;
	s9 =	sadd.s32 s14, s9  }
0xb: {  	v3 =	vlaneseq.u32;
	v4 =	vimm.s32 $0x8;
	v0 =	vmov s5;
	s7 =	smax.u32 s13, $0x1;
	s11 =	simm.s32 $0x0;
	s4 =	sshrl.u32 s28, $0x3  }
0xc: {  	v5 =	vimm.s32 $0x0;
	v0 =	vbroadcast v0, $0x0;
	v2 =	vmov s12;
	s30 =	sshrl.u32 s29, $0x3;
	s31 =	sshrl.u32 s9, $0x3;
	s9 =	simm.s32 $0x1  }
0xd: {  	v3 =	vadd.s32 $0xFFFFF801, v3;
	v1 =	vbroadcast v1, $0x0;
	v2 =	vbroadcast v2, $0x0;
	s4 =	sadd.s32 s6, s4;
	s5 =	sadd.s32 s6, s30;
	s6 =	sadd.s32 s6, s31  }
.LBB2_1:
0xe: {  	v7 =	vadd.s32 s8, v3  }
0xf: {  	v6 =	vsub.s32 $0x0, v7  }
0x10: {  	s12 =	sadd.s32 $0x10, s8;
	v8 =	vmin.u32 v7, v6  }
0x11: {  	v6 =	vadd.s32 s12, v3;
	vm0 =	vgt.s32 v8, $0xB;
	vm1 =	vgt.s32 v8, $0xF  }
0x12: {  	vm2 =	vgt.s32 v8, $0x16;
	v9 =	vsel vm0, $0x9, v4;
	v10 =	vsel vm1, $0x1, v5  }
0x13: {  	vm0 =	vgt.s32 v8, $0x1F;
	v9 =	vadd.s32 v10, v9;
	v10 =	vsel vm2, $0x1, v5  }
0x14: {  	v9 =	vadd.s32 v10, v9;
	v10 =	vsel vm0, $0x1, v5;
	vm0 =	vgt.s32 v8, $0x2D  }
0x15: {  	v9 =	vadd.s32 v10, v9;
	v10 =	vsel vm0, $0x1, v5;
	vm0 =	vgt.s32 v8, $0x3F  }
0x16: {  	v9 =	vadd.s32 v10, v9;
	v10 =	vsel vm0, $0x1, v5;
	vm0 =	vgt.s32 v8, $0x5A  }
0x17: {  	vm1 =	vlt.s32 v8, $0x8;
	v9 =	vadd.s32 v10, v9;
	v10 =	vsel vm0, $0x1, v5  }
0x18: {  	vm0 =	vlt.s32 v5, v7;
	v7 =	vsub.s32 $0x0, v6;
	v9 =	vadd.s32 v10, v9  }
0x19: {  	s15 =	sadd.s32 $0x10, s12;
	v10 =	vmin.u32 v6, v7;
	v11 =	vsel vm0, $0x10, v5;
	v8 =	vsel vm1, v8, v9  }
0x1a: {  	v9 =	vadd.s32 s15, v3;
	vm1 =	vgt.s32 v10, $0xB;
	vm2 =	vgt.s32 v10, $0xF  }
0x1b: {  	v8 =	vadd.s32 v11, v8;
	v11 =	vsel vm1, $0x9, v4;
	v12 =	vsel vm2, $0x1, v5  }
0x1c: {  	vm0 =	vgt.s32 v10, $0x16;
	v8 =	vshll.u32 v8, $0x4;
	v11 =	vadd.s32 v12, v11  }
0x1d: {  	v12 =	vsel vm0, $0x1, v5;
	vm0 =	vgt.s32 v10, $0x1F;
	v13 =	vor.u32 v0, v8  }
0x1e: {  	[tilespmem:s2], [sflag:$0x1] =	stream.linear.gather [hbm4b:s3+s2], $0x200, $0x38;
	v11 =	vadd.s32 v12, v11;
	v12 =	vsel vm0, $0x1, v5;
	vm0 =	vgt.s32 v10, $0x2D;
	[tilespmem:$0x500] =	vst v63  }
0x1f: {  	_ =	swait.ge [sflag:s9], $0x200;
	v11 =	vadd.s32 v12, v11;
	v12 =	vsel vm0, $0x1, v5;
	vm0 =	vgt.s32 v10, $0x3F  }
0x20: {  	[sflag:s9] =	ssyncset.done $0x0;
	v11 =	vadd.s32 v12, v11;
	v12 =	vsel vm0, $0x1, v5;
	vm0 =	vgt.s32 v10, $0x5A  }
0x21: {  	s13 =	simm.s32 $0x40;
	[sflag:s9] =	ssyncadd.s32 $0xFFFFFE00;
	vm1 =	vlt.s32 v10, $0x8;
	v14 =	vadd.s32 v12, v11;
	v15 =	vsel vm0, $0x1, v5  }
0x22: {  	s14 =	simm.s32 $0x80;
	s17 =	simm.s32 $0xC0;
	s16 =	simm.s32 $0x0;
	vm0 =	vlt.s32 v5, v6;
	v12 =	vsub.s32 $0x0, v9;
	v11 =	vld.idx.msk [tilespmem:v13+s2+$0x0], $0xffff;
	v13 =	vadd.s32 v15, v14  }
.LBB2_2:
0x23: {  	p0 =	sne.s32 s17, $0xBC0;
	s15 =	sadd.s32 $0x10, s15;
	v13 =	vsel vm1, v10, v13;
	v10 =	vmin.u32 v9, v12;
	v12 =	vsel vm0, $0x10, v5  }
0x24: {  	v14 =	vadd.s32 s15, v3;
	vm0 =	vgt.s32 v10, $0x16;
	v12 =	vadd.s32 v12, v13  }
0x25: {  	vm1 =	vgt.s32 v10, $0xB;
	vm2 =	vgt.s32 v10, $0xF;
	v12 =	vshll.u32 v12, $0x4  }
0x26: {  	s18 =	sshra.s32 s16, $0x2;
	s16 =	smov.u32 s13;
	s13 =	smov.u32 s14;
	v13 =	vsel vm1, $0x9, v4;
	v15 =	vsel vm2, $0x1, v5;
	v12 =	vor.u32 v0, v12  }
0x27: {  	s14 =	smov.u32 s17;
	v13 =	vadd.s32 v15, v13;
	v15 =	vsel vm0, $0x1, v5;
	vm0 =	vgt.s32 v10, $0x1F;
	[tilespmem:s18+$0x200] =	vst v11  }
.Ltmp0:
0x28: {  	v11 =	vadd.s32 v15, v13;
	v13 =	vsel vm0, $0x1, v5;
	vm0 =	vgt.s32 v10, $0x2D;
	(pc) =	sbr.rel @p0 .LBB2_2-.Ltmp0, $4  }
0x29: {  	v11 =	vadd.s32 v13, v11;
	v13 =	vsel vm0, $0x1, v5;
	vm0 =	vgt.s32 v10, $0x3F  }
0x2a: {  	v11 =	vadd.s32 v13, v11;
	v13 =	vsel vm0, $0x1, v5;
	vm0 =	vgt.s32 v10, $0x5A  }
0x2b: {  	v13 =	vadd.s32 v13, v11;
	v15 =	vsel vm0, $0x1, v5;
	vm0 =	vlt.s32 v5, v9;
	v9 =	vmovc v14;
	v11 =	vld.idx.msk [tilespmem:v12+s2+$0x0], $0xffff  }
0x2c: {  	s17 =	sadd.s32 $0x40, s17;
	vm1 =	vlt.s32 v10, $0x8;
	v12 =	vsub.s32 $0x0, v9;
	v13 =	vadd.s32 v15, v13  }
0x2d: {  	v12 =	vmin.u32 v9, v12;
	v10 =	vsel vm1, v10, v13;
	v13 =	vsel vm0, $0x10, v5  }
0x2e: {  	vm0 =	vgt.s32 v12, $0x16;
	v10 =	vadd.s32 v13, v10  }
0x2f: {  	vm1 =	vgt.s32 v12, $0xB;
	vm2 =	vgt.s32 v12, $0xF;
	v10 =	vshll.u32 v10, $0x4  }
0x30: {  	v13 =	vsel vm1, $0x9, v4;
	v14 =	vsel vm2, $0x1, v5;
	v10 =	vor.u32 v0, v10  }
0x31: {  	v13 =	vadd.s32 v14, v13;
	v14 =	vsel vm0, $0x1, v5;
	vm0 =	vgt.s32 v12, $0x1F  }
0x32: {  	v13 =	vadd.s32 v14, v13;
	v14 =	vsel vm0, $0x1, v5;
	vm0 =	vgt.s32 v12, $0x2D  }
0x33: {  	v13 =	vadd.s32 v14, v13;
	v14 =	vsel vm0, $0x1, v5;
	vm0 =	vgt.s32 v12, $0x3F  }
0x34: {  	v13 =	vadd.s32 v14, v13;
	v14 =	vsel vm0, $0x1, v5;
	vm0 =	vgt.s32 v12, $0x5A  }
0x35: {  	v13 =	vadd.s32 v14, v13;
	v14 =	vsel vm0, $0x1, v5  }
0x36: {  	vm1 =	vlt.s32 v12, $0x8;
	vm0 =	vlt.s32 v5, v9;
	v9 =	vadd.s32 v14, v13  }
0x37: {  	s15 =	sshra.s32 s16, $0x2;
	v9 =	vsel vm1, v12, v9;
	v12 =	vsel vm0, $0x10, v5  }
0x38: {  	[tilespmem:s15+$0x200] =	vst v11;
	v9 =	vadd.s32 v12, v9  }
0x39: {  	v10 =	vld.idx.msk [tilespmem:v10+s2+$0x0], $0xffff;
	v9 =	vshll.u32 v9, $0x4  }
0x3a: {  	v9 =	vor.u32 v0, v9;
	_ =	sdelay $0x2  }
0x3b: {  	s13 =	sshra.s32 s13, $0x2  }
0x3c: {  	[tilespmem:s13+$0x200] =	vst v10  }
0x3d: {  	v11 =	vld.idx.msk [tilespmem:v9+s2+$0x0], $0xffff;
	_ =	sdelay $0x1  }
0x3e: {  	v14 =	vor.u32 v1, v8;
	v10 =	vmin.u32 v6, v7  }
0x3f: {  	vm0 =	vgt.s32 v10, $0x16;
	vm1 =	vgt.s32 v10, $0xB;
	vm2 =	vgt.s32 v10, $0xF  }
0x40: {  	s31 =	sshra.s32 s14, $0x2;
	v12 =	vsel vm1, $0x9, v4;
	v13 =	vsel vm2, $0x1, v5;
	vm1 =	vlt.s32 v10, $0x8  }
0x41: {  	s13 =	simm.s32 $0x0;
	[tilespmem:s31+$0x200] =	vst v11;
	v11 =	vadd.s32 v13, v12;
	v12 =	vsel vm0, $0x1, v5;
	vm0 =	vgt.s32 v10, $0x1F  }
0x42: {  	[hbm4b:s4+s13] =	stream.linear.scatter [tilespmem:s10], [sflag:$0x1], $0x300, $0x38;
	v11 =	vadd.s32 v12, v11;
	v12 =	vsel vm0, $0x1, v5;
	vm0 =	vgt.s32 v10, $0x2D;
	[tilespmem:$0x500] =	vst v63  }
0x43: {  	_ =	swait.ge [sflag:s9], $0x300;
	v11 =	vadd.s32 v12, v11;
	v12 =	vsel vm0, $0x1, v5;
	vm0 =	vgt.s32 v10, $0x3F  }
0x44: {  	s16 =	sadd.s32 $0x10, s12;
	[sflag:s9] =	ssyncset.done $0x0;
	v11 =	vadd.s32 v12, v11;
	v12 =	vsel vm0, $0x1, v5;
	vm0 =	vgt.s32 v10, $0x5A  }
0x45: {  	v9 =	vadd.s32 s16, v3;
	[sflag:s9] =	ssyncadd.s32 $0xFFFFFD00;
	v13 =	vadd.s32 v12, v11;
	v15 =	vsel vm0, $0x1, v5  }
0x46: {  	s14 =	simm.s32 $0x80;
	s17 =	simm.s32 $0xC0;
	s15 =	simm.s32 $0x40;
	vm0 =	vlt.s32 v5, v6;
	v12 =	vsub.s32 $0x0, v9;
	v11 =	vld.idx.msk [tilespmem:v14+s2+$0x0], $0xffff;
	v13 =	vadd.s32 v15, v13  }
.LBB2_4:
0x47: {  	p0 =	sne.s32 s17, $0xBC0;
	s16 =	sadd.s32 $0x10, s16;
	v13 =	vsel vm1, v10, v13;
	v10 =	vmin.u32 v9, v12;
	v12 =	vsel vm0, $0x10, v5  }
0x48: {  	v14 =	vadd.s32 s16, v3;
	vm0 =	vgt.s32 v10, $0x16;
	v12 =	vadd.s32 v12, v13  }
0x49: {  	vm1 =	vgt.s32 v10, $0xB;
	vm2 =	vgt.s32 v10, $0xF;
	v12 =	vshll.u32 v12, $0x4  }
0x4a: {  	s18 =	sshra.s32 s13, $0x2;
	s13 =	smov.u32 s15;
	s15 =	smov.u32 s14;
	v13 =	vsel vm1, $0x9, v4;
	v15 =	vsel vm2, $0x1, v5;
	v12 =	vor.u32 v1, v12  }
0x4b: {  	s14 =	smov.u32 s17;
	v13 =	vadd.s32 v15, v13;
	v15 =	vsel vm0, $0x1, v5;
	vm0 =	vgt.s32 v10, $0x1F;
	[tilespmem:s18+$0x200] =	vst v11  }
.Ltmp1:
0x4c: {  	v11 =	vadd.s32 v15, v13;
	v13 =	vsel vm0, $0x1, v5;
	vm0 =	vgt.s32 v10, $0x2D;
	(pc) =	sbr.rel @p0 .LBB2_4-.Ltmp1, $4  }
0x4d: {  	v11 =	vadd.s32 v13, v11;
	v13 =	vsel vm0, $0x1, v5;
	vm0 =	vgt.s32 v10, $0x3F  }
0x4e: {  	v11 =	vadd.s32 v13, v11;
	v13 =	vsel vm0, $0x1, v5;
	vm0 =	vgt.s32 v10, $0x5A  }
0x4f: {  	v13 =	vadd.s32 v13, v11;
	v15 =	vsel vm0, $0x1, v5;
	vm0 =	vlt.s32 v5, v9;
	v9 =	vmovc v14;
	v11 =	vld.idx.msk [tilespmem:v12+s2+$0x0], $0xffff  }
0x50: {  	s17 =	sadd.s32 $0x40, s17;
	vm1 =	vlt.s32 v10, $0x8;
	v12 =	vsub.s32 $0x0, v9;
	v13 =	vadd.s32 v15, v13  }
0x51: {  	v12 =	vmin.u32 v9, v12;
	v10 =	vsel vm1, v10, v13;
	v55 =	vsel vm0, $0x10, v5  }
0x52: {  	vm0 =	vgt.s32 v12, $0x16;
	v10 =	vadd.s32 v55, v10  }
0x53: {  	vm1 =	vgt.s32 v12, $0xB;
	vm2 =	vgt.s32 v12, $0xF;
	v10 =	vshll.u32 v10, $0x4  }
0x54: {  	v56 =	vsel vm1, $0x9, v4;
	v14 =	vsel vm2, $0x1, v5;
	v57 =	vsel vm0, $0x1, v5  }
0x55: {  	vm0 =	vgt.s32 v12, $0x1F;
	v10 =	vor.u32 v1, v10;
	v13 =	vadd.s32 v14, v56  }
0x56: {  	v58 =	vsel vm0, $0x1, v5;
	vm0 =	vgt.s32 v12, $0x2D;
	v13 =	vadd.s32 v57, v13  }
0x57: {  	v59 =	vsel vm0, $0x1, v5;
	vm0 =	vgt.s32 v12, $0x3F;
	v13 =	vadd.s32 v58, v13  }
0x58: {  	v60 =	vsel vm0, $0x1, v5;
	vm0 =	vgt.s32 v12, $0x5A;
	v13 =	vadd.s32 v59, v13  }
0x59: {  	v61 =	vsel vm0, $0x1, v5;
	v13 =	vadd.s32 v60, v13  }
0x5a: {  	vm1 =	vlt.s32 v12, $0x8;
	vm0 =	vlt.s32 v5, v9;
	v9 =	vadd.s32 v61, v13  }
0x5b: {  	s13 =	sshra.s32 s13, $0x2;
	v62 =	vsel vm0, $0x10, v5;
	v9 =	vsel vm1, v12, v9  }
0x5c: {  	[tilespmem:s13+$0x200] =	vst v11;
	v9 =	vadd.s32 v62, v9  }
0x5d: {  	v10 =	vld.idx.msk [tilespmem:v10+s2+$0x0], $0xffff;
	v9 =	vshll.u32 v9, $0x4  }
0x5e: {  	v9 =	vor.u32 v1, v9;
	_ =	sdelay $0x2  }
0x5f: {  	s30 =	sshra.s32 s15, $0x2  }
0x60: {  	[tilespmem:s30+$0x200] =	vst v10  }
0x61: {  	v10 =	vld.idx.msk [tilespmem:v9+s2+$0x0], $0xffff;
	_ =	sdelay $0x1  }
0x62: {  	s15 =	sadd.s32 $0x10, s12;
	v8 =	vor.u32 v2, v8;
	v9 =	vmin.u32 v6, v7  }
0x63: {  	v7 =	vadd.s32 s15, v3;
	vm1 =	vgt.s32 v9, $0xB;
	vm2 =	vgt.s32 v9, $0xF  }
0x64: {  	s31 =	sshra.s32 s14, $0x2;
	vm0 =	vgt.s32 v9, $0x16;
	v11 =	vsel vm1, $0x9, v4;
	v63 =	vsel vm2, $0x1, v5  }
0x65: {  	s12 =	simm.s32 $0x0;
	[tilespmem:s31+$0x200] =	vst v10;
	v10 =	vadd.s32 v63, v11;
	v11 =	vsel vm0, $0x1, v5;
	vm0 =	vgt.s32 v9, $0x1F  }
0x66: {  	[hbm4b:s5+s12] =	stream.linear.scatter [tilespmem:s10], [sflag:$0x1], $0x300, $0x38;
	v10 =	vadd.s32 v11, v10;
	v11 =	vsel vm0, $0x1, v5;
	vm0 =	vgt.s32 v9, $0x2D;
	[tilespmem:$0x500] =	vst v63  }
0x67: {  	_ =	swait.ge [sflag:s9], $0x300;
	v10 =	vadd.s32 v11, v10;
	v11 =	vsel vm0, $0x1, v5;
	vm0 =	vgt.s32 v9, $0x3F  }
0x68: {  	[sflag:s9] =	ssyncset.done $0x0;
	v10 =	vadd.s32 v11, v10;
	v11 =	vsel vm0, $0x1, v5;
	vm0 =	vgt.s32 v9, $0x5A  }
0x69: {  	vm1 =	vlt.s32 v9, $0x8;
	[sflag:s9] =	ssyncadd.s32 $0xFFFFFD00;
	v10 =	vadd.s32 v11, v10;
	v11 =	vsel vm0, $0x1, v5  }
0x6a: {  	s14 =	simm.s32 $0x80;
	s16 =	simm.s32 $0xC0;
	s13 =	simm.s32 $0x40;
	vm0 =	vlt.s32 v5, v6;
	v6 =	vld.idx.msk [tilespmem:v8+s2+$0x0], $0xffff;
	v8 =	vsub.s32 $0x0, v7;
	v10 =	vadd.s32 v11, v10  }
.LBB2_6:
0x6b: {  	p0 =	sne.s32 s16, $0xBC0;
	s15 =	sadd.s32 $0x10, s15;
	v10 =	vsel vm1, v9, v10;
	v9 =	vmin.u32 v7, v8;
	v8 =	vsel vm0, $0x10, v5  }
0x6c: {  	v11 =	vadd.s32 s15, v3;
	vm0 =	vgt.s32 v9, $0x16;
	v8 =	vadd.s32 v8, v10  }
0x6d: {  	vm1 =	vgt.s32 v9, $0xB;
	vm2 =	vgt.s32 v9, $0xF;
	v8 =	vshll.u32 v8, $0x4  }
0x6e: {  	s17 =	sshra.s32 s12, $0x2;
	s12 =	smov.u32 s13;
	s13 =	smov.u32 s14;
	v10 =	vsel vm1, $0x9, v4;
	v12 =	vsel vm2, $0x1, v5;
	v8 =	vor.u32 v2, v8  }
0x6f: {  	s14 =	smov.u32 s16;
	v10 =	vadd.s32 v12, v10;
	v12 =	vsel vm0, $0x1, v5;
	vm0 =	vgt.s32 v9, $0x1F;
	[tilespmem:s17+$0x200] =	vst v6  }
.Ltmp2:
0x70: {  	v6 =	vadd.s32 v12, v10;
	v10 =	vsel vm0, $0x1, v5;
	vm0 =	vgt.s32 v9, $0x2D;
	(pc) =	sbr.rel @p0 .LBB2_6-.Ltmp2, $4  }
0x71: {  	v6 =	vadd.s32 v10, v6;
	v10 =	vsel vm0, $0x1, v5;
	vm0 =	vgt.s32 v9, $0x3F  }
0x72: {  	v6 =	vadd.s32 v10, v6;
	v10 =	vsel vm0, $0x1, v5;
	vm0 =	vgt.s32 v9, $0x5A  }
0x73: {  	v10 =	vadd.s32 v10, v6;
	v12 =	vsel vm0, $0x1, v5;
	vm0 =	vlt.s32 v5, v7;
	v7 =	vmovc v11;
	v6 =	vld.idx.msk [tilespmem:v8+s2+$0x0], $0xffff  }
0x74: {  	s16 =	sadd.s32 $0x40, s16;
	vm1 =	vlt.s32 v9, $0x8;
	v8 =	vsub.s32 $0x0, v7;
	v10 =	vadd.s32 v12, v10  }
0x75: {  	v8 =	vmin.u32 v7, v8;
	v9 =	vsel vm1, v9, v10;
	v56 =	vsel vm0, $0x10, v5  }
0x76: {  	vm8 =	vgt.s32 v8, $0x16;
	v9 =	vadd.s32 v56, v9  }
0x77: {  	vm9 =	vgt.s32 v8, $0xB;
	vm2 =	vgt.s32 v8, $0xF;
	vm10 =	vgt.s32 v8, $0x1F  }
0x78: {  	vm11 =	vgt.s32 v8, $0x2D;
	v57 =	vsel vm9, $0x9, v4;
	v11 =	vsel vm2, $0x1, v5  }
0x79: {  	vm12 =	vgt.s32 v8, $0x3F;
	v58 =	vsel vm8, $0x1, v5;
	v10 =	vadd.s32 v11, v57  }
0x7a: {  	vm13 =	vgt.s32 v8, $0x5A;
	v59 =	vsel vm10, $0x1, v5;
	v10 =	vadd.s32 v58, v10  }
0x7b: {  	v9 =	vshll.u32 v9, $0x4;
	v60 =	vsel vm11, $0x1, v5;
	v10 =	vadd.s32 v59, v10  }
0x7c: {  	v61 =	vsel vm12, $0x1, v5;
	v9 =	vor.u32 v2, v9;
	v10 =	vadd.s32 v60, v10  }
0x7d: {  	v62 =	vsel vm13, $0x1, v5;
	v10 =	vadd.s32 v61, v10  }
0x7e: {  	vm14 =	vlt.s32 v5, v7;
	vm15 =	vlt.s32 v8, $0x8;
	v7 =	vadd.s32 v62, v10  }
0x7f: {  	s12 =	sshra.s32 s12, $0x2;
	v63 =	vsel vm14, $0x10, v5;
	v7 =	vsel vm15, v8, v7  }
0x80: {  	[tilespmem:s12+$0x200] =	vst v6;
	v6 =	vadd.s32 v63, v7  }
0x81: {  	v7 =	vld.idx.msk [tilespmem:v9+s2+$0x0], $0xffff;
	v6 =	vshll.u32 v6, $0x4  }
0x82: {  	v6 =	vor.u32 v2, v6;
	_ =	sdelay $0x2  }
0x83: {  	s30 =	sshra.s32 s13, $0x2  }
0x84: {  	[tilespmem:s30+$0x200] =	vst v7  }
0x85: {  	v6 =	vld.idx.msk [tilespmem:v6+s2+$0x0], $0xffff;
	_ =	sdelay $0x2  }
0x86: {  	s11 =	sadd.s32 $0x1, s11  }
0x87: {  	s31 =	sshra.s32 s14, $0x2;
	p0 =	sne.s32 s11, s7  }
.Ltmp3:
0x88: {  	[tilespmem:s31+$0x200] =	vst v6;
	(pc) =	sbr.rel @p0 .LBB2_1-.Ltmp3, $4  }
0x89: {  	[hbm4b:s6+s2] =	stream.linear.scatter [tilespmem:s10], [sflag:$0x1], $0x300, $0x38;
	[tilespmem:$0x500] =	vst v63  }
0x8a: {  	_ =	swait.ge [sflag:s9], $0x300  }
0x8b: {  	[sflag:s9] =	ssyncset.done $0x0  }
0x8c: {  	[sflag:s9] =	ssyncadd.s32 $0xFFFFFD00  }
0x8d: {  	_ =	sfence.sel $0x180000  }
0x8e: {  	[bflag:$0x0] =	sbarrier.arrive $0xFFFF  }
0x8f: {  	p0 =	sne.s32 s0, $0x0;
	_ =	strace $0x90000047  }
0x90: {  	s0 =	sadd.s32 @!p0 $0x100000, s1;
	[bflag:$0x2] =	sbarrier.arrive $0xFFFF  }
0x91: {  	[sflag:s0] =	ssyncadd.tile.s32 @!p0 $0x1;
	_ =	shalt  }
.Lfunc_end2:
_tile_overlayer_lowered:
.L_overlay_start_2:
0x92: {  	(tag) =	ssettag $0x2  }
0x93: {  	s0 =	rddreg [dreg:$0x0];
	s2 =	stileid.u32  }
0x94: {  	s1 =	rddreg [dreg:$0x1];
	p0 =	sne.s32 s2, $0x0  }
0x95: {  	s3 =	rddreg [dreg:$0x2];
	[bflag:$0x3] =	sbarrier.arrive $0xFFFF;
	s2 =	simm.s32 @!p0 $0x1C01  }
0x96: {  	[timem:s3], [sflag:s2] =	dma.local @!p0 [hbm:s0], s1  }
0x97: {  	s0 =	simm.s32 @!p0 $0x1  }
0x98: {  	_ =	swait.ge @!p0 [sflag:s0], s1  }
0x99: {  	s1 =	ssub.s32 @!p0 $0x0, s1;
	[sflag:s0] =	ssyncset.done @!p0 $0x0  }
0x9a: {  	[sflag:s0] =	ssyncadd.s32 @!p0 s1  }
0x9b: {  	[bflag:$0x3] =	sbarrier.arrive $0xFFFF  }
0x9c: {  	_ =	shalt  }

</sc_bundles>
